<compile_context>
chip_gen: v7x
topology: tpu7x:2x2x1
jax: 0.10.2.dev20260603
libtpu: 0.0.44.dev20260713+nightly
codegen_flags: <defaults>
</compile_context>

<pallas_src>
import functools

import jax
import jax.numpy as jnp
from jax import lax
from jax.experimental import pallas as pl
from jax.experimental.pallas import tpu as pltpu
from jax.experimental.pallas import tpu_sc as plsc

N = 16 * 1 * 512 * 512
LBITS = 14
B = 1 << LBITS
NW = 32
ROWS_PER_CHUNK = 16
NCH = 256 // ROWS_PER_CHUNK
LANES = 16

_INT_MIN = -2147483648


def _sc_hist_kernel(logits_hbm, labels_hbm, out_hbm,
                    lbuf0, ybuf0, lbuf1, ybuf1, hist,
                    sl0, sy0, sl1, sy1):
    nc = 2
    wid = lax.axis_index("s") * nc + lax.axis_index("c")
    img = wid // 2
    row_base = (wid % 2) * 256

    zeros16 = jnp.zeros((LANES,), jnp.float32)
    ones16 = jnp.full((LANES,), 1.0, jnp.float32)
    sh31 = jnp.full((LANES,), 31, jnp.int32)
    sh_binrow = jnp.full((LANES,), 32 - LBITS + 7, jnp.int32)
    sh_bin = jnp.full((LANES,), 32 - LBITS, jnp.int32)
    sh7 = jnp.full((LANES,), 7, jnp.int32)

    @plsc.parallel_loop(0, 4 * B // 128, unroll=8)
    def _(r):
        for j in range(128 // LANES):
            hist[r, pl.ds(j * LANES, LANES)] = zeros16

    def process(lb, yb):
        @plsc.parallel_loop(0, ROWS_PER_CHUNK * (512 // LANES), unroll=8)
        def _(i):
            r = i // (512 // LANES)
            c = (i % (512 // LANES)) * LANES
            x = lb[r, pl.ds(c, LANES)]
            y = yb[r, pl.ds(c, LANES)]
            y1 = y ^ 1
            xb = lax.bitcast_convert_type(x, jnp.int32)
            e = 1.0 - lax.bitcast_convert_type(
                xb ^ lax.shift_left(y1, sh31), jnp.float32)
            relu_e = jnp.maximum(e, 0.0)
            b = lax.bitcast_convert_type(e, jnp.int32)
            keyu = b ^ (lax.shift_right_arithmetic(b, sh31)
                        | jnp.int32(_INT_MIN))
            col = lax.shift_right_logical(keyu, sh_bin) & 127
            row_cnt = (lax.shift_right_logical(keyu, sh_binrow)
                       | lax.shift_left(y1, sh7))
            row_sum = row_cnt | (2 * B // 128)
            plsc.addupdate_scatter(hist, [row_cnt, col], ones16)
            plsc.addupdate_scatter(hist, [row_sum, col], relu_e)

    def start(g, lb, yb, sl, sy):
        r0 = row_base + g * ROWS_PER_CHUNK
        pltpu.async_copy(
            logits_hbm.at[img, 0, pl.ds(r0, ROWS_PER_CHUNK), :], lb, sl)
        pltpu.async_copy(
            labels_hbm.at[img, 0, pl.ds(r0, ROWS_PER_CHUNK), :], yb, sy)

    def wait(lb, yb, sl, sy):
        src_l = logits_hbm.at[img, 0, pl.ds(row_base, ROWS_PER_CHUNK), :]
        src_y = labels_hbm.at[img, 0, pl.ds(row_base, ROWS_PER_CHUNK), :]
        pltpu.make_async_copy(src_l, lb, sl).wait()
        pltpu.make_async_copy(src_y, yb, sy).wait()

    start(0, lbuf0, ybuf0, sl0, sy0)

    def pair_body(h, c):
        g0 = 2 * h
        wait(lbuf0, ybuf0, sl0, sy0)
        start(g0 + 1, lbuf1, ybuf1, sl1, sy1)
        process(lbuf0, ybuf0)
        wait(lbuf1, ybuf1, sl1, sy1)
        start(jnp.minimum(g0 + 2, NCH - 1), lbuf0, ybuf0, sl0, sy0)
        process(lbuf1, ybuf1)
        return c

    lax.fori_loop(0, NCH // 2, pair_body, 0)
    wait(lbuf0, ybuf0, sl0, sy0)
    pltpu.sync_copy(hist, out_hbm.at[wid])


@functools.cache
def _sc_hist():
    return pl.kernel(
        _sc_hist_kernel,
        mesh=plsc.VectorSubcoreMesh(core_axis_name="c", subcore_axis_name="s"),
        compiler_params=pltpu.CompilerParams(needs_layout_passes=False),
        out_type=jax.ShapeDtypeStruct((NW, 4 * B // 128, 128), jnp.float32),
        scratch_types=[
            pltpu.VMEM((ROWS_PER_CHUNK, 512), jnp.float32),
            pltpu.VMEM((ROWS_PER_CHUNK, 512), jnp.int32),
            pltpu.VMEM((ROWS_PER_CHUNK, 512), jnp.float32),
            pltpu.VMEM((ROWS_PER_CHUNK, 512), jnp.int32),
            pltpu.VMEM((4 * B // 128, 128), jnp.float32),
            pltpu.SemaphoreType.DMA,
            pltpu.SemaphoreType.DMA,
            pltpu.SemaphoreType.DMA,
            pltpu.SemaphoreType.DMA,
        ],
    )


def _tc_post_kernel(h_ref, o_ref):
    R = B // 128
    x = h_ref[...]
    t = jnp.sum(x, axis=0)
    cp = t[0:R]
    cn = t[R:2 * R]
    sp = t[2 * R:3 * R]
    sn = t[3 * R:4 * R]

    row = lax.broadcasted_iota(jnp.int32, (R, R), 0)
    col = lax.broadcasted_iota(jnp.int32, (R, R), 1)
    upper_inc = (row <= col).astype(jnp.float32)
    lower_str = (col < row).astype(jnp.float32)

    def prefix_inclusive(a):
        inc = jnp.dot(a, upper_inc, preferred_element_type=jnp.float32)
        rowtot = jnp.sum(a, axis=1, keepdims=True)
        off = jnp.dot(lower_str, rowtot, preferred_element_type=jnp.float32)
        return inc + off

    ipn = prefix_inclusive(cn)
    ipp = prefix_inclusive(cp)
    tn = jnp.sum(cn)
    tp = jnp.sum(cp)
    gn = tn - ipn
    gp = tp - ipp
    p_tot = tp

    pos_den = jnp.maximum(p_tot + gn + 0.5 * cn, 0.5)
    pos_term = sp / pos_den
    nn_hat = gn + 0.5 * (cn - 1.0)
    neg_den = jnp.maximum((p_tot + nn_hat) * (p_tot + nn_hat + 1.0), 0.5)
    neg_term = sn * (p_tot - (gp + 0.5 * cp)) / neg_den

    o_ref[0, 0] = jnp.sum(pos_term + neg_term)


def kernel(outputs, targets):
    labels = targets.astype(jnp.int32)
    hists = _sc_hist()(outputs, labels)
    loss = pl.pallas_call(
        _tc_post_kernel,
        out_shape=jax.ShapeDtypeStruct((1, 1), jnp.float32),
        out_specs=pl.BlockSpec(memory_space=pltpu.SMEM),
    )(hists)
    return loss.reshape(())

# --- scband reference (transcript-rebuilt; emitter-appended) ---
"""Pipeline reference for scband-lovasz-hinge-loss-335007449199 (READ-ONLY COPY).

The authoritative reference and input builder live on the scoring server;
editing this copy changes nothing except your own understanding.
"""

import jax, jax.numpy as jnp
import numpy as np


def lovasz_grad(gt_sorted):
    # gt_sorted: float32[P] of 0/1 labels sorted by descending error
    gts = jnp.sum(gt_sorted)
    intersection = gts - jnp.cumsum(gt_sorted)
    union = gts + jnp.cumsum(1.0 - gt_sorted)
    jaccard = 1.0 - intersection / union
    # jaccard[1:] = jaccard[1:] - jaccard[:-1]
    jaccard = jnp.concatenate([jaccard[:1], jaccard[1:] - jaccard[:-1]], axis=0)
    return jaccard


def lovasz_hinge_flat(logits, labels):
    signs = 2.0 * labels - 1.0
    errors = 1.0 - logits * signs
    perm = jnp.argsort(-errors)  # descending sort permutation (perm is detached, as in torch)
    errors_sorted = errors[perm]
    gt_sorted = labels[perm]
    grad = lovasz_grad(gt_sorted)
    loss = jnp.dot(jax.nn.relu(errors_sorted), grad)
    return loss


def setup_inputs(seed: int = 0) -> dict:
    key = jax.random.key(seed)
    k1, k2 = jax.random.split(key)
    outputs = jax.random.normal(k1, (16, 1, 512, 512), dtype=jnp.float32)
    targets = jax.random.randint(k2, (16, 1, 512, 512), 0, 2, dtype=jnp.int64)
    return {"outputs": outputs, "targets": targets}


def reference(outputs, targets):
    # lovasz_hinge with per_image=False: flatten everything, single lovasz_hinge_flat
    logits = outputs.reshape(-1)
    labels = targets.reshape(-1).astype(jnp.float32)
    return lovasz_hinge_flat(logits, labels)

if __name__ == "__main__":
    import jax
    _d = setup_inputs()
    print(jax.jit(kernel)(*tuple(_d.values())))

</pallas_src>

<mosaic_0001>
#map = affine_map<(d0, d1) -> (0, 0, 0, 0)>
#map1 = affine_map<(d0, d1) -> (0, 0, 0)>
module attributes {stable_mosaic.version = 14 : i64} {
  func.func @_sc_hist_kernel(%arg0: i32, %arg1: i32, %arg2: memref<16x1x512x512xf32, #tpu.memory_space<hbm>>, %arg3: memref<16x1x512x512xi32, #tpu.memory_space<hbm>>, %arg4: memref<32x512x128xf32, #tpu.memory_space<hbm>>, %arg5: memref<16x512xf32, #tpu.memory_space<vmem>>, %arg6: memref<16x512xi32, #tpu.memory_space<vmem>>, %arg7: memref<16x512xf32, #tpu.memory_space<vmem>>, %arg8: memref<16x512xi32, #tpu.memory_space<vmem>>, %arg9: memref<512x128xf32, #tpu.memory_space<vmem>>, %arg10: memref<!tpu.dma_semaphore, #tpu.memory_space<semaphore_mem>>, %arg11: memref<!tpu.dma_semaphore, #tpu.memory_space<semaphore_mem>>, %arg12: memref<!tpu.dma_semaphore, #tpu.memory_space<semaphore_mem>>, %arg13: memref<!tpu.dma_semaphore, #tpu.memory_space<semaphore_mem>>) attributes {dimension_semantics = [#tpu.dimension_semantics<core_parallel>, #tpu.dimension_semantics<subcore_parallel>], iteration_bounds = array<i64: 2, 16>, scalar_prefetch = 0 : i64, scratch_operands = 9 : i64, tpu.core_type = #tpu.core_type<sc_vector_subcore>, window_params = [{transform_indices = #map}, {transform_indices = #map}, {transform_indices = #map1}]} {
    %mul3A = arith.constant 2 : i32
    %mul3A_0 = arith.muli %arg1, %mul3A : i32
    %add3A = arith.addi %mul3A_0, %arg0 : i32
    %jit3A = arith.constant 2 : i32
    %div3A = arith.divsi %add3A, %jit3A : i32
    %sign3A = arith.constant 0 : i32
    %sign3A_1 = arith.cmpi sgt, %add3A, %sign3A : i32
    %sign3A_2 = arith.extui %sign3A_1 : i1 to i32
    %sign3A_3 = arith.constant 0 : i32
    %sign3A_4 = arith.cmpi slt, %add3A, %sign3A_3 : i32
    %sign3A_5 = arith.extui %sign3A_4 : i1 to i32
    %sign3A_6 = arith.subi %sign3A_2, %sign3A_5 : i32
    %sign3A_7 = arith.constant 0 : i32
    %sign3A_8 = arith.cmpi sgt, %jit3A, %sign3A_7 : i32
    %sign3A_9 = arith.extui %sign3A_8 : i1 to i32
    %sign3A_10 = arith.constant 0 : i32
    %sign3A_11 = arith.cmpi slt, %jit3A, %sign3A_10 : i32
    %sign3A_12 = arith.extui %sign3A_11 : i1 to i32
    %sign3A_13 = arith.subi %sign3A_9, %sign3A_12 : i32
    %ne3A = arith.cmpi ne, %sign3A_6, %sign3A_13 : i32
    %rem3A = arith.remsi %add3A, %jit3A : i32
    %ne3A_14 = arith.constant 0 : i32
    %ne3A_15 = arith.cmpi ne, %rem3A, %ne3A_14 : i32
    %and3A = arith.andi %ne3A, %ne3A_15 : i1
    %sub3A = arith.constant 1 : i32
    %sub3A_16 = arith.subi %div3A, %sub3A : i32
    %select_n3A = arith.select %and3A, %sub3A_16, %div3A : i32
    %jit3A_17 = arith.constant 2 : i32
    %eq3A = arith.constant 0 : i32
    %eq3A_18 = arith.cmpi eq, %jit3A_17, %eq3A : i32
    %jit3A_19 = arith.constant 1 : i32
    %select_n3A_20 = arith.select %eq3A_18, %jit3A_19, %jit3A_17 : i32
    %rem3A_21 = arith.remsi %add3A, %select_n3A_20 : i32
    %ne3A_22 = arith.constant 0 : i32
    %ne3A_23 = arith.cmpi ne, %rem3A_21, %ne3A_22 : i32
    %lt3A = arith.constant 0 : i32
    %lt3A_24 = arith.cmpi slt, %rem3A_21, %lt3A : i32
    %lt3A_25 = arith.constant 0 : i32
    %lt3A_26 = arith.cmpi slt, %select_n3A_20, %lt3A_25 : i32
    %ne3A_27 = arith.xori %lt3A_24, %lt3A_26 : i1
    %and3A_28 = arith.andi %ne3A_27, %ne3A_23 : i1
    %add3A_29 = arith.addi %rem3A_21, %select_n3A_20 : i32
    %select_n3A_30 = arith.select %and3A_28, %add3A_29, %rem3A_21 : i32
    %mul3A_31 = arith.constant 256 : i32
    %mul3A_32 = arith.muli %select_n3A_30, %mul3A_31 : i32
    %broadcast_in_dim3A = arith.constant 0.000000e+00 : f32
    %broadcast_in_dim3A_33 = vector.broadcast %broadcast_in_dim3A : f32 to vector<16xf32>
    %broadcast_in_dim3A_34 = arith.constant 1.000000e+00 : f32
    %broadcast_in_dim3A_35 = vector.broadcast %broadcast_in_dim3A_34 : f32 to vector<16xf32>
    %broadcast_in_dim3A_36 = arith.constant 31 : i32
    %broadcast_in_dim3A_37 = vector.broadcast %broadcast_in_dim3A_36 : i32 to vector<16xi32>
    %broadcast_in_dim3A_38 = arith.constant 25 : i32
    %broadcast_in_dim3A_39 = vector.broadcast %broadcast_in_dim3A_38 : i32 to vector<16xi32>
    %broadcast_in_dim3A_40 = arith.constant 18 : i32
    %broadcast_in_dim3A_41 = vector.broadcast %broadcast_in_dim3A_40 : i32 to vector<16xi32>
    %broadcast_in_dim3A_42 = arith.constant 7 : i32
    %broadcast_in_dim3A_43 = vector.broadcast %broadcast_in_dim3A_42 : i32 to vector<16xi32>
    %parallel_loop3A = arith.constant 0 : i32
    %parallel_loop3A_44 = arith.constant 512 : i32
    %parallel_loop3A_45 = arith.constant 1 : i32
    scf.for %parallel_loop3A_79 = %parallel_loop3A to %parallel_loop3A_44 step %parallel_loop3A_45  : i32 {
      %parallel_loop3A_80 = arith.index_cast %parallel_loop3A_79 : i32 to index
      %parallel_loop3A_81 = arith.constant 0 : index
      %parallel_loop3A_82 = tpu.vector_load %arg9[%parallel_loop3A_80, %parallel_loop3A_81] {strides = array<i32>} : memref<512x128xf32, #tpu.memory_space<vmem>>, vector<16xf32>,
      tpu.vector_store %arg9[%parallel_loop3A_80, %parallel_loop3A_81], %broadcast_in_dim3A_33 {strides = array<i32>} : memref<512x128xf32, #tpu.memory_space<vmem>>, vector<16xf32>,
      %parallel_loop3A_83 = arith.index_cast %parallel_loop3A_79 : i32 to index
      %parallel_loop3A_84 = arith.constant 16 : index
      %parallel_loop3A_85 = tpu.vector_load %arg9[%parallel_loop3A_83, %parallel_loop3A_84] {strides = array<i32>} : memref<512x128xf32, #tpu.memory_space<vmem>>, vector<16xf32>,
      tpu.vector_store %arg9[%parallel_loop3A_83, %parallel_loop3A_84], %broadcast_in_dim3A_33 {strides = array<i32>} : memref<512x128xf32, #tpu.memory_space<vmem>>, vector<16xf32>,
      %parallel_loop3A_86 = arith.index_cast %parallel_loop3A_79 : i32 to index
      %parallel_loop3A_87 = arith.constant 32 : index
      %parallel_loop3A_88 = tpu.vector_load %arg9[%parallel_loop3A_86, %parallel_loop3A_87] {strides = array<i32>} : memref<512x128xf32, #tpu.memory_space<vmem>>, vector<16xf32>,
      tpu.vector_store %arg9[%parallel_loop3A_86, %parallel_loop3A_87], %broadcast_in_dim3A_33 {strides = array<i32>} : memref<512x128xf32, #tpu.memory_space<vmem>>, vector<16xf32>,
      %parallel_loop3A_89 = arith.index_cast %parallel_loop3A_79 : i32 to index
      %parallel_loop3A_90 = arith.constant 48 : index
      %parallel_loop3A_91 = tpu.vector_load %arg9[%parallel_loop3A_89, %parallel_loop3A_90] {strides = array<i32>} : memref<512x128xf32, #tpu.memory_space<vmem>>, vector<16xf32>,
      tpu.vector_store %arg9[%parallel_loop3A_89, %parallel_loop3A_90], %broadcast_in_dim3A_33 {strides = array<i32>} : memref<512x128xf32, #tpu.memory_space<vmem>>, vector<16xf32>,
      %parallel_loop3A_92 = arith.index_cast %parallel_loop3A_79 : i32 to index
      %parallel_loop3A_93 = arith.constant 64 : index
      %parallel_loop3A_94 = tpu.vector_load %arg9[%parallel_loop3A_92, %parallel_loop3A_93] {strides = array<i32>} : memref<512x128xf32, #tpu.memory_space<vmem>>, vector<16xf32>,
      tpu.vector_store %arg9[%parallel_loop3A_92, %parallel_loop3A_93], %broadcast_in_dim3A_33 {strides = array<i32>} : memref<512x128xf32, #tpu.memory_space<vmem>>, vector<16xf32>,
      %parallel_loop3A_95 = arith.index_cast %parallel_loop3A_79 : i32 to index
      %parallel_loop3A_96 = arith.constant 80 : index
      %parallel_loop3A_97 = tpu.vector_load %arg9[%parallel_loop3A_95, %parallel_loop3A_96] {strides = array<i32>} : memref<512x128xf32, #tpu.memory_space<vmem>>, vector<16xf32>,
      tpu.vector_store %arg9[%parallel_loop3A_95, %parallel_loop3A_96], %broadcast_in_dim3A_33 {strides = array<i32>} : memref<512x128xf32, #tpu.memory_space<vmem>>, vector<16xf32>,
      %parallel_loop3A_98 = arith.index_cast %parallel_loop3A_79 : i32 to index
      %parallel_loop3A_99 = arith.constant 96 : index
      %parallel_loop3A_100 = tpu.vector_load %arg9[%parallel_loop3A_98, %parallel_loop3A_99] {strides = array<i32>} : memref<512x128xf32, #tpu.memory_space<vmem>>, vector<16xf32>,
      tpu.vector_store %arg9[%parallel_loop3A_98, %parallel_loop3A_99], %broadcast_in_dim3A_33 {strides = array<i32>} : memref<512x128xf32, #tpu.memory_space<vmem>>, vector<16xf32>,
      %parallel_loop3A_101 = arith.index_cast %parallel_loop3A_79 : i32 to index
      %parallel_loop3A_102 = arith.constant 112 : index
      %parallel_loop3A_103 = tpu.vector_load %arg9[%parallel_loop3A_101, %parallel_loop3A_102] {strides = array<i32>} : memref<512x128xf32, #tpu.memory_space<vmem>>, vector<16xf32>,
      tpu.vector_store %arg9[%parallel_loop3A_101, %parallel_loop3A_102], %broadcast_in_dim3A_33 {strides = array<i32>} : memref<512x128xf32, #tpu.memory_space<vmem>>, vector<16xf32>,
    } {sc.loop_unroll_factor = 8 : i64, sc.parallel_access}
    %add3A_46 = arith.constant 0 : i32
    %add3A_47 = arith.addi %mul3A_32, %add3A_46 : i32
    %dma_start3A = arith.constant 0 : i32
    %dma_start3A_48 = arith.constant 0 : i32
    %dma_start3A_49 = tpu.memref_slice %arg2[%select_n3A, %dma_start3A, %add3A_47, %dma_start3A_48] : memref<16x1x512x512xf32, #tpu.memory_space<hbm>> -> memref<1x1x16x512xf32, #tpu.memory_space<hbm>>
    %dma_start3A_50 = tpu.memref_squeeze %dma_start3A_49 : memref<1x1x16x512xf32, #tpu.memory_space<hbm>> -> memref<16x512xf32, #tpu.memory_space<hbm>>
    %dma_start3A_51 = arith.constant 0 : i32
    %dma_start3A_52 = tpu.memref_slice %arg2[%select_n3A, %dma_start3A, %add3A_47, %dma_start3A_51] : memref<16x1x512x512xf32, #tpu.memory_space<hbm>> -> memref<1x1x16x512xf32, #tpu.memory_space<hbm>>
    %dma_start3A_53 = tpu.memref_squeeze %dma_start3A_52 : memref<1x1x16x512xf32, #tpu.memory_space<hbm>> -> memref<16x512xf32, #tpu.memory_space<hbm>>
    tpu.enqueue_dma source(%dma_start3A_53 : memref<16x512xf32, #tpu.memory_space<hbm>>) target(%arg5 : memref<16x512xf32, #tpu.memory_space<vmem>>) target_semaphore(%arg10 : memref<!tpu.dma_semaphore, #tpu.memory_space<semaphore_mem>>)
    %dma_start3A_54 = arith.constant 0 : i32
    %dma_start3A_55 = arith.constant 0 : i32
    %dma_start3A_56 = tpu.memref_slice %arg3[%select_n3A, %dma_start3A_54, %add3A_47, %dma_start3A_55] : memref<16x1x512x512xi32, #tpu.memory_space<hbm>> -> memref<1x1x16x512xi32, #tpu.memory_space<hbm>>
    %dma_start3A_57 = tpu.memref_squeeze %dma_start3A_56 : memref<1x1x16x512xi32, #tpu.memory_space<hbm>> -> memref<16x512xi32, #tpu.memory_space<hbm>>
    %dma_start3A_58 = arith.constant 0 : i32
    %dma_start3A_59 = tpu.memref_slice %arg3[%select_n3A, %dma_start3A_54, %add3A_47, %dma_start3A_58] : memref<16x1x512x512xi32, #tpu.memory_space<hbm>> -> memref<1x1x16x512xi32, #tpu.memory_space<hbm>>
    %dma_start3A_60 = tpu.memref_squeeze %dma_start3A_59 : memref<1x1x16x512xi32, #tpu.memory_space<hbm>> -> memref<16x512xi32, #tpu.memory_space<hbm>>
    tpu.enqueue_dma source(%dma_start3A_60 : memref<16x512xi32, #tpu.memory_space<hbm>>) target(%arg6 : memref<16x512xi32, #tpu.memory_space<vmem>>) target_semaphore(%arg11 : memref<!tpu.dma_semaphore, #tpu.memory_space<semaphore_mem>>)
    %scan3A = arith.constant 0 : i32
    %scan3A_61 = arith.constant 0 : i32
    %scan3A_62 = arith.constant 8 : i32
    %scan3A_63 = arith.addi %scan3A_61, %scan3A_62 : i32
    %scan3A_64 = arith.constant 1 : i32
    scf.for %scan3A_79 = %scan3A_61 to %scan3A_63 step %scan3A_64  : i32 {
      %mul3A_80 = arith.constant 2 : i32
      %mul3A_81 = arith.muli %mul3A_80, %scan3A_79 : i32
      %dma_wait3A_82 = arith.constant 0 : i32
      %dma_wait3A_83 = arith.constant 0 : i32
      %dma_wait3A_84 = tpu.memref_slice %arg2[%select_n3A, %dma_wait3A_82, %mul3A_32, %dma_wait3A_83] : memref<16x1x512x512xf32, #tpu.memory_space<hbm>> -> memref<1x1x16x512xf32, #tpu.memory_space<hbm>>
      %dma_wait3A_85 = tpu.memref_squeeze %dma_wait3A_84 : memref<1x1x16x512xf32, #tpu.memory_space<hbm>> -> memref<16x512xf32, #tpu.memory_space<hbm>>
      %dma_wait3A_86 = arith.constant 0 : i32
      %dma_wait3A_87 = tpu.memref_slice %arg2[%select_n3A, %dma_wait3A_82, %mul3A_32, %dma_wait3A_86] : memref<16x1x512x512xf32, #tpu.memory_space<hbm>> -> memref<1x1x16x512xf32, #tpu.memory_space<hbm>>
      %dma_wait3A_88 = tpu.memref_squeeze %dma_wait3A_87 : memref<1x1x16x512xf32, #tpu.memory_space<hbm>> -> memref<16x512xf32, #tpu.memory_space<hbm>>
      tpu.wait_dma2 semaphore(%arg10 : memref<!tpu.dma_semaphore, #tpu.memory_space<semaphore_mem>>) src(%dma_wait3A_88 : memref<16x512xf32, #tpu.memory_space<hbm>>) dst(%arg5 : memref<16x512xf32, #tpu.memory_space<vmem>>)
      %dma_wait3A_89 = arith.constant 0 : i32
      %dma_wait3A_90 = arith.constant 0 : i32
      %dma_wait3A_91 = tpu.memref_slice %arg3[%select_n3A, %dma_wait3A_89, %mul3A_32, %dma_wait3A_90] : memref<16x1x512x512xi32, #tpu.memory_space<hbm>> -> memref<1x1x16x512xi32, #tpu.memory_space<hbm>>
      %dma_wait3A_92 = tpu.memref_squeeze %dma_wait3A_91 : memref<1x1x16x512xi32, #tpu.memory_space<hbm>> -> memref<16x512xi32, #tpu.memory_space<hbm>>
      %dma_wait3A_93 = arith.constant 0 : i32
      %dma_wait3A_94 = tpu.memref_slice %arg3[%select_n3A, %dma_wait3A_89, %mul3A_32, %dma_wait3A_93] : memref<16x1x512x512xi32, #tpu.memory_space<hbm>> -> memref<1x1x16x512xi32, #tpu.memory_space<hbm>>
      %dma_wait3A_95 = tpu.memref_squeeze %dma_wait3A_94 : memref<1x1x16x512xi32, #tpu.memory_space<hbm>> -> memref<16x512xi32, #tpu.memory_space<hbm>>
      tpu.wait_dma2 semaphore(%arg11 : memref<!tpu.dma_semaphore, #tpu.memory_space<semaphore_mem>>) src(%dma_wait3A_95 : memref<16x512xi32, #tpu.memory_space<hbm>>) dst(%arg6 : memref<16x512xi32, #tpu.memory_space<vmem>>)
      %add3A_96 = arith.constant 1 : i32
      %add3A_97 = arith.addi %mul3A_81, %add3A_96 : i32
      %mul3A_98 = arith.constant 16 : i32
      %mul3A_99 = arith.muli %add3A_97, %mul3A_98 : i32
      %add3A_100 = arith.addi %mul3A_32, %mul3A_99 : i32
      %dma_start3A_101 = arith.constant 0 : i32
      %dma_start3A_102 = arith.constant 0 : i32
      %dma_start3A_103 = tpu.memref_slice %arg2[%select_n3A, %dma_start3A_101, %add3A_100, %dma_start3A_102] : memref<16x1x512x512xf32, #tpu.memory_space<hbm>> -> memref<1x1x16x512xf32, #tpu.memory_space<hbm>>
      %dma_start3A_104 = tpu.memref_squeeze %dma_start3A_103 : memref<1x1x16x512xf32, #tpu.memory_space<hbm>> -> memref<16x512xf32, #tpu.memory_space<hbm>>
      %dma_start3A_105 = arith.constant 0 : i32
      %dma_start3A_106 = tpu.memref_slice %arg2[%select_n3A, %dma_start3A_101, %add3A_100, %dma_start3A_105] : memref<16x1x512x512xf32, #tpu.memory_space<hbm>> -> memref<1x1x16x512xf32, #tpu.memory_space<hbm>>
      %dma_start3A_107 = tpu.memref_squeeze %dma_start3A_106 : memref<1x1x16x512xf32, #tpu.memory_space<hbm>> -> memref<16x512xf32, #tpu.memory_space<hbm>>
      tpu.enqueue_dma source(%dma_start3A_107 : memref<16x512xf32, #tpu.memory_space<hbm>>) target(%arg7 : memref<16x512xf32, #tpu.memory_space<vmem>>) target_semaphore(%arg12 : memref<!tpu.dma_semaphore, #tpu.memory_space<semaphore_mem>>)
      %dma_start3A_108 = arith.constant 0 : i32
      %dma_start3A_109 = arith.constant 0 : i32
      %dma_start3A_110 = tpu.memref_slice %arg3[%select_n3A, %dma_start3A_108, %add3A_100, %dma_start3A_109] : memref<16x1x512x512xi32, #tpu.memory_space<hbm>> -> memref<1x1x16x512xi32, #tpu.memory_space<hbm>>
      %dma_start3A_111 = tpu.memref_squeeze %dma_start3A_110 : memref<1x1x16x512xi32, #tpu.memory_space<hbm>> -> memref<16x512xi32, #tpu.memory_space<hbm>>
      %dma_start3A_112 = arith.constant 0 : i32
      %dma_start3A_113 = tpu.memref_slice %arg3[%select_n3A, %dma_start3A_108, %add3A_100, %dma_start3A_112] : memref<16x1x512x512xi32, #tpu.memory_space<hbm>> -> memref<1x1x16x512xi32, #tpu.memory_space<hbm>>
      %dma_start3A_114 = tpu.memref_squeeze %dma_start3A_113 : memref<1x1x16x512xi32, #tpu.memory_space<hbm>> -> memref<16x512xi32, #tpu.memory_space<hbm>>
      tpu.enqueue_dma source(%dma_start3A_114 : memref<16x512xi32, #tpu.memory_space<hbm>>) target(%arg8 : memref<16x512xi32, #tpu.memory_space<vmem>>) target_semaphore(%arg13 : memref<!tpu.dma_semaphore, #tpu.memory_space<semaphore_mem>>)
      %parallel_loop3A_115 = arith.constant 0 : i32
      %parallel_loop3A_116 = arith.constant 512 : i32
      %parallel_loop3A_117 = arith.constant 1 : i32
      scf.for %parallel_loop3A_155 = %parallel_loop3A_115 to %parallel_loop3A_116 step %parallel_loop3A_117  : i32 {
        %parallel_loop3A_156 = arith.constant 32 : i32
        %parallel_loop3A_157 = arith.divsi %parallel_loop3A_155, %parallel_loop3A_156 : i32
        %parallel_loop3A_158 = arith.constant 0 : i32
        %parallel_loop3A_159 = arith.cmpi sgt, %parallel_loop3A_155, %parallel_loop3A_158 : i32
        %parallel_loop3A_160 = arith.extui %parallel_loop3A_159 : i1 to i32
        %parallel_loop3A_161 = arith.constant 0 : i32
        %parallel_loop3A_162 = arith.cmpi slt, %parallel_loop3A_155, %parallel_loop3A_161 : i32
        %parallel_loop3A_163 = arith.extui %parallel_loop3A_162 : i1 to i32
        %parallel_loop3A_164 = arith.subi %parallel_loop3A_160, %parallel_loop3A_163 : i32
        %parallel_loop3A_165 = arith.constant 0 : i32
        %parallel_loop3A_166 = arith.cmpi sgt, %parallel_loop3A_156, %parallel_loop3A_165 : i32
        %parallel_loop3A_167 = arith.extui %parallel_loop3A_166 : i1 to i32
        %parallel_loop3A_168 = arith.constant 0 : i32
        %parallel_loop3A_169 = arith.cmpi slt, %parallel_loop3A_156, %parallel_loop3A_168 : i32
        %parallel_loop3A_170 = arith.extui %parallel_loop3A_169 : i1 to i32
        %parallel_loop3A_171 = arith.subi %parallel_loop3A_167, %parallel_loop3A_170 : i32
        %parallel_loop3A_172 = arith.cmpi ne, %parallel_loop3A_164, %parallel_loop3A_171 : i32
        %parallel_loop3A_173 = arith.remsi %parallel_loop3A_155, %parallel_loop3A_156 : i32
        %parallel_loop3A_174 = arith.constant 0 : i32
        %parallel_loop3A_175 = arith.cmpi ne, %parallel_loop3A_173, %parallel_loop3A_174 : i32
        %parallel_loop3A_176 = arith.andi %parallel_loop3A_172, %parallel_loop3A_175 : i1
        %parallel_loop3A_177 = arith.constant 1 : i32
        %parallel_loop3A_178 = arith.subi %parallel_loop3A_157, %parallel_loop3A_177 : i32
        %parallel_loop3A_179 = arith.select %parallel_loop3A_176, %parallel_loop3A_178, %parallel_loop3A_157 : i32
        %parallel_loop3A_180 = arith.constant 32 : i32
        %parallel_loop3A_181 = arith.constant 0 : i32
        %parallel_loop3A_182 = arith.cmpi eq, %parallel_loop3A_180, %parallel_loop3A_181 : i32
        %parallel_loop3A_183 = arith.constant 1 : i32
        %parallel_loop3A_184 = arith.select %parallel_loop3A_182, %parallel_loop3A_183, %parallel_loop3A_180 : i32
        %parallel_loop3A_185 = arith.remsi %parallel_loop3A_155, %parallel_loop3A_184 : i32
        %parallel_loop3A_186 = arith.constant 0 : i32
        %parallel_loop3A_187 = arith.cmpi ne, %parallel_loop3A_185, %parallel_loop3A_186 : i32
        %parallel_loop3A_188 = arith.constant 0 : i32
        %parallel_loop3A_189 = arith.cmpi slt, %parallel_loop3A_185, %parallel_loop3A_188 : i32
        %parallel_loop3A_190 = arith.constant 0 : i32
        %parallel_loop3A_191 = arith.cmpi slt, %parallel_loop3A_184, %parallel_loop3A_190 : i32
        %parallel_loop3A_192 = arith.xori %parallel_loop3A_189, %parallel_loop3A_191 : i1
        %parallel_loop3A_193 = arith.andi %parallel_loop3A_192, %parallel_loop3A_187 : i1
        %parallel_loop3A_194 = arith.addi %parallel_loop3A_185, %parallel_loop3A_184 : i32
        %parallel_loop3A_195 = arith.select %parallel_loop3A_193, %parallel_loop3A_194, %parallel_loop3A_185 : i32
        %parallel_loop3A_196 = arith.constant 16 : i32
        %parallel_loop3A_197 = arith.muli %parallel_loop3A_195, %parallel_loop3A_196 : i32
        %parallel_loop3A_198 = arith.index_cast %parallel_loop3A_179 : i32 to index
        %parallel_loop3A_199 = arith.index_cast %parallel_loop3A_197 : i32 to index
        %parallel_loop3A_200 = tpu.vector_load %arg5[%parallel_loop3A_198, %parallel_loop3A_199] {strides = array<i32>} : memref<16x512xf32, #tpu.memory_space<vmem>>, vector<16xf32>,
        %parallel_loop3A_201 = arith.index_cast %parallel_loop3A_179 : i32 to index
        %parallel_loop3A_202 = arith.index_cast %parallel_loop3A_197 : i32 to index
        %parallel_loop3A_203 = tpu.vector_load %arg6[%parallel_loop3A_201, %parallel_loop3A_202] {strides = array<i32>} : memref<16x512xi32, #tpu.memory_space<vmem>>, vector<16xi32>,
        %parallel_loop3A_204 = arith.constant 1 : i32
        %parallel_loop3A_205 = vector.broadcast %parallel_loop3A_204 : i32 to vector<16xi32>
        %parallel_loop3A_206 = arith.xori %parallel_loop3A_203, %parallel_loop3A_205 : vector<16xi32>
        %parallel_loop3A_207 = tpu.bitcast %parallel_loop3A_200 : vector<16xf32> -> vector<16xi32>
        %parallel_loop3A_208 = arith.shli %parallel_loop3A_206, %broadcast_in_dim3A_37 : vector<16xi32>
        %parallel_loop3A_209 = arith.xori %parallel_loop3A_207, %parallel_loop3A_208 : vector<16xi32>
        %parallel_loop3A_210 = tpu.bitcast %parallel_loop3A_209 : vector<16xi32> -> vector<16xf32>
        %parallel_loop3A_211 = arith.constant 1.000000e+00 : f32
        %parallel_loop3A_212 = vector.broadcast %parallel_loop3A_211 : f32 to vector<16xf32>
        %parallel_loop3A_213 = arith.subf %parallel_loop3A_212, %parallel_loop3A_210 : vector<16xf32>
        %parallel_loop3A_214 = arith.constant 0.000000e+00 : f32
        %parallel_loop3A_215 = vector.broadcast %parallel_loop3A_214 : f32 to vector<16xf32>
        %parallel_loop3A_216 = arith.maximumf %parallel_loop3A_213, %parallel_loop3A_215 : vector<16xf32>
        %parallel_loop3A_217 = tpu.bitcast %parallel_loop3A_213 : vector<16xf32> -> vector<16xi32>
        %parallel_loop3A_218 = arith.shrsi %parallel_loop3A_217, %broadcast_in_dim3A_37 : vector<16xi32>
        %parallel_loop3A_219 = arith.constant -2147483648 : i32
        %parallel_loop3A_220 = vector.broadcast %parallel_loop3A_219 : i32 to vector<16xi32>
        %parallel_loop3A_221 = arith.ori %parallel_loop3A_218, %parallel_loop3A_220 : vector<16xi32>
        %parallel_loop3A_222 = arith.xori %parallel_loop3A_217, %parallel_loop3A_221 : vector<16xi32>
        %parallel_loop3A_223 = arith.shrui %parallel_loop3A_222, %broadcast_in_dim3A_41 : vector<16xi32>
        %parallel_loop3A_224 = arith.constant 127 : i32
        %parallel_loop3A_225 = vector.broadcast %parallel_loop3A_224 : i32 to vector<16xi32>
        %parallel_loop3A_226 = arith.andi %parallel_loop3A_223, %parallel_loop3A_225 : vector<16xi32>
        %parallel_loop3A_227 = arith.shrui %parallel_loop3A_222, %broadcast_in_dim3A_39 : vector<16xi32>
        %parallel_loop3A_228 = arith.shli %parallel_loop3A_206, %broadcast_in_dim3A_43 : vector<16xi32>
        %parallel_loop3A_229 = arith.ori %parallel_loop3A_227, %parallel_loop3A_228 : vector<16xi32>
        %parallel_loop3A_230 = arith.constant 256 : i32
        %parallel_loop3A_231 = vector.broadcast %parallel_loop3A_230 : i32 to vector<16xi32>
        %parallel_loop3A_232 = arith.ori %parallel_loop3A_229, %parallel_loop3A_231 : vector<16xi32>
        tpu.vector_store_idx %arg9[%parallel_loop3A_229, %parallel_loop3A_226], %broadcast_in_dim3A_35 {add = true} : memref<512x128xf32, #tpu.memory_space<vmem>>[vector<16xi32>, vector<16xi32>], vector<16xf32>,
        tpu.vector_store_idx %arg9[%parallel_loop3A_232, %parallel_loop3A_226], %parallel_loop3A_216 {add = true} : memref<512x128xf32, #tpu.memory_space<vmem>>[vector<16xi32>, vector<16xi32>], vector<16xf32>,
      } {sc.loop_unroll_factor = 8 : i64, sc.parallel_access}
      %dma_wait3A_118 = arith.constant 0 : i32
      %dma_wait3A_119 = arith.constant 0 : i32
      %dma_wait3A_120 = tpu.memref_slice %arg2[%select_n3A, %dma_wait3A_118, %mul3A_32, %dma_wait3A_119] : memref<16x1x512x512xf32, #tpu.memory_space<hbm>> -> memref<1x1x16x512xf32, #tpu.memory_space<hbm>>
      %dma_wait3A_121 = tpu.memref_squeeze %dma_wait3A_120 : memref<1x1x16x512xf32, #tpu.memory_space<hbm>> -> memref<16x512xf32, #tpu.memory_space<hbm>>
      %dma_wait3A_122 = arith.constant 0 : i32
      %dma_wait3A_123 = tpu.memref_slice %arg2[%select_n3A, %dma_wait3A_118, %mul3A_32, %dma_wait3A_122] : memref<16x1x512x512xf32, #tpu.memory_space<hbm>> -> memref<1x1x16x512xf32, #tpu.memory_space<hbm>>
      %dma_wait3A_124 = tpu.memref_squeeze %dma_wait3A_123 : memref<1x1x16x512xf32, #tpu.memory_space<hbm>> -> memref<16x512xf32, #tpu.memory_space<hbm>>
      tpu.wait_dma2 semaphore(%arg12 : memref<!tpu.dma_semaphore, #tpu.memory_space<semaphore_mem>>) src(%dma_wait3A_124 : memref<16x512xf32, #tpu.memory_space<hbm>>) dst(%arg7 : memref<16x512xf32, #tpu.memory_space<vmem>>)
      %dma_wait3A_125 = arith.constant 0 : i32
      %dma_wait3A_126 = arith.constant 0 : i32
      %dma_wait3A_127 = tpu.memref_slice %arg3[%select_n3A, %dma_wait3A_125, %mul3A_32, %dma_wait3A_126] : memref<16x1x512x512xi32, #tpu.memory_space<hbm>> -> memref<1x1x16x512xi32, #tpu.memory_space<hbm>>
      %dma_wait3A_128 = tpu.memref_squeeze %dma_wait3A_127 : memref<1x1x16x512xi32, #tpu.memory_space<hbm>> -> memref<16x512xi32, #tpu.memory_space<hbm>>
      %dma_wait3A_129 = arith.constant 0 : i32
      %dma_wait3A_130 = tpu.memref_slice %arg3[%select_n3A, %dma_wait3A_125, %mul3A_32, %dma_wait3A_129] : memref<16x1x512x512xi32, #tpu.memory_space<hbm>> -> memref<1x1x16x512xi32, #tpu.memory_space<hbm>>
      %dma_wait3A_131 = tpu.memref_squeeze %dma_wait3A_130 : memref<1x1x16x512xi32, #tpu.memory_space<hbm>> -> memref<16x512xi32, #tpu.memory_space<hbm>>
      tpu.wait_dma2 semaphore(%arg13 : memref<!tpu.dma_semaphore, #tpu.memory_space<semaphore_mem>>) src(%dma_wait3A_131 : memref<16x512xi32, #tpu.memory_space<hbm>>) dst(%arg8 : memref<16x512xi32, #tpu.memory_space<vmem>>)
      %add3A_132 = arith.constant 2 : i32
      %add3A_133 = arith.addi %mul3A_81, %add3A_132 : i32
      %min3A = arith.constant 15 : i32
      %min3A_134 = arith.minsi %add3A_133, %min3A : i32
      %mul3A_135 = arith.constant 16 : i32
      %mul3A_136 = arith.muli %min3A_134, %mul3A_135 : i32
      %add3A_137 = arith.addi %mul3A_32, %mul3A_136 : i32
      %dma_start3A_138 = arith.constant 0 : i32
      %dma_start3A_139 = arith.constant 0 : i32
      %dma_start3A_140 = tpu.memref_slice %arg2[%select_n3A, %dma_start3A_138, %add3A_137, %dma_start3A_139] : memref<16x1x512x512xf32, #tpu.memory_space<hbm>> -> memref<1x1x16x512xf32, #tpu.memory_space<hbm>>
      %dma_start3A_141 = tpu.memref_squeeze %dma_start3A_140 : memref<1x1x16x512xf32, #tpu.memory_space<hbm>> -> memref<16x512xf32, #tpu.memory_space<hbm>>
      %dma_start3A_142 = arith.constant 0 : i32
      %dma_start3A_143 = tpu.memref_slice %arg2[%select_n3A, %dma_start3A_138, %add3A_137, %dma_start3A_142] : memref<16x1x512x512xf32, #tpu.memory_space<hbm>> -> memref<1x1x16x512xf32, #tpu.memory_space<hbm>>
      %dma_start3A_144 = tpu.memref_squeeze %dma_start3A_143 : memref<1x1x16x512xf32, #tpu.memory_space<hbm>> -> memref<16x512xf32, #tpu.memory_space<hbm>>
      tpu.enqueue_dma source(%dma_start3A_144 : memref<16x512xf32, #tpu.memory_space<hbm>>) target(%arg5 : memref<16x512xf32, #tpu.memory_space<vmem>>) target_semaphore(%arg10 : memref<!tpu.dma_semaphore, #tpu.memory_space<semaphore_mem>>)
      %dma_start3A_145 = arith.constant 0 : i32
      %dma_start3A_146 = arith.constant 0 : i32
      %dma_start3A_147 = tpu.memref_slice %arg3[%select_n3A, %dma_start3A_145, %add3A_137, %dma_start3A_146] : memref<16x1x512x512xi32, #tpu.memory_space<hbm>> -> memref<1x1x16x512xi32, #tpu.memory_space<hbm>>
      %dma_start3A_148 = tpu.memref_squeeze %dma_start3A_147 : memref<1x1x16x512xi32, #tpu.memory_space<hbm>> -> memref<16x512xi32, #tpu.memory_space<hbm>>
      %dma_start3A_149 = arith.constant 0 : i32
      %dma_start3A_150 = tpu.memref_slice %arg3[%select_n3A, %dma_start3A_145, %add3A_137, %dma_start3A_149] : memref<16x1x512x512xi32, #tpu.memory_space<hbm>> -> memref<1x1x16x512xi32, #tpu.memory_space<hbm>>
      %dma_start3A_151 = tpu.memref_squeeze %dma_start3A_150 : memref<1x1x16x512xi32, #tpu.memory_space<hbm>> -> memref<16x512xi32, #tpu.memory_space<hbm>>
      tpu.enqueue_dma source(%dma_start3A_151 : memref<16x512xi32, #tpu.memory_space<hbm>>) target(%arg6 : memref<16x512xi32, #tpu.memory_space<vmem>>) target_semaphore(%arg11 : memref<!tpu.dma_semaphore, #tpu.memory_space<semaphore_mem>>)
      %parallel_loop3A_152 = arith.constant 0 : i32
      %parallel_loop3A_153 = arith.constant 512 : i32
      %parallel_loop3A_154 = arith.constant 1 : i32
      scf.for %parallel_loop3A_155 = %parallel_loop3A_152 to %parallel_loop3A_153 step %parallel_loop3A_154  : i32 {
        %parallel_loop3A_156 = arith.constant 32 : i32
        %parallel_loop3A_157 = arith.divsi %parallel_loop3A_155, %parallel_loop3A_156 : i32
        %parallel_loop3A_158 = arith.constant 0 : i32
        %parallel_loop3A_159 = arith.cmpi sgt, %parallel_loop3A_155, %parallel_loop3A_158 : i32
        %parallel_loop3A_160 = arith.extui %parallel_loop3A_159 : i1 to i32
        %parallel_loop3A_161 = arith.constant 0 : i32
        %parallel_loop3A_162 = arith.cmpi slt, %parallel_loop3A_155, %parallel_loop3A_161 : i32
        %parallel_loop3A_163 = arith.extui %parallel_loop3A_162 : i1 to i32
        %parallel_loop3A_164 = arith.subi %parallel_loop3A_160, %parallel_loop3A_163 : i32
        %parallel_loop3A_165 = arith.constant 0 : i32
        %parallel_loop3A_166 = arith.cmpi sgt, %parallel_loop3A_156, %parallel_loop3A_165 : i32
        %parallel_loop3A_167 = arith.extui %parallel_loop3A_166 : i1 to i32
        %parallel_loop3A_168 = arith.constant 0 : i32
        %parallel_loop3A_169 = arith.cmpi slt, %parallel_loop3A_156, %parallel_loop3A_168 : i32
        %parallel_loop3A_170 = arith.extui %parallel_loop3A_169 : i1 to i32
        %parallel_loop3A_171 = arith.subi %parallel_loop3A_167, %parallel_loop3A_170 : i32
        %parallel_loop3A_172 = arith.cmpi ne, %parallel_loop3A_164, %parallel_loop3A_171 : i32
        %parallel_loop3A_173 = arith.remsi %parallel_loop3A_155, %parallel_loop3A_156 : i32
        %parallel_loop3A_174 = arith.constant 0 : i32
        %parallel_loop3A_175 = arith.cmpi ne, %parallel_loop3A_173, %parallel_loop3A_174 : i32
        %parallel_loop3A_176 = arith.andi %parallel_loop3A_172, %parallel_loop3A_175 : i1
        %parallel_loop3A_177 = arith.constant 1 : i32
        %parallel_loop3A_178 = arith.subi %parallel_loop3A_157, %parallel_loop3A_177 : i32
        %parallel_loop3A_179 = arith.select %parallel_loop3A_176, %parallel_loop3A_178, %parallel_loop3A_157 : i32
        %parallel_loop3A_180 = arith.constant 32 : i32
        %parallel_loop3A_181 = arith.constant 0 : i32
        %parallel_loop3A_182 = arith.cmpi eq, %parallel_loop3A_180, %parallel_loop3A_181 : i32
        %parallel_loop3A_183 = arith.constant 1 : i32
        %parallel_loop3A_184 = arith.select %parallel_loop3A_182, %parallel_loop3A_183, %parallel_loop3A_180 : i32
        %parallel_loop3A_185 = arith.remsi %parallel_loop3A_155, %parallel_loop3A_184 : i32
        %parallel_loop3A_186 = arith.constant 0 : i32
        %parallel_loop3A_187 = arith.cmpi ne, %parallel_loop3A_185, %parallel_loop3A_186 : i32
        %parallel_loop3A_188 = arith.constant 0 : i32
        %parallel_loop3A_189 = arith.cmpi slt, %parallel_loop3A_185, %parallel_loop3A_188 : i32
        %parallel_loop3A_190 = arith.constant 0 : i32
        %parallel_loop3A_191 = arith.cmpi slt, %parallel_loop3A_184, %parallel_loop3A_190 : i32
        %parallel_loop3A_192 = arith.xori %parallel_loop3A_189, %parallel_loop3A_191 : i1
        %parallel_loop3A_193 = arith.andi %parallel_loop3A_192, %parallel_loop3A_187 : i1
        %parallel_loop3A_194 = arith.addi %parallel_loop3A_185, %parallel_loop3A_184 : i32
        %parallel_loop3A_195 = arith.select %parallel_loop3A_193, %parallel_loop3A_194, %parallel_loop3A_185 : i32
        %parallel_loop3A_196 = arith.constant 16 : i32
        %parallel_loop3A_197 = arith.muli %parallel_loop3A_195, %parallel_loop3A_196 : i32
        %parallel_loop3A_198 = arith.index_cast %parallel_loop3A_179 : i32 to index
        %parallel_loop3A_199 = arith.index_cast %parallel_loop3A_197 : i32 to index
        %parallel_loop3A_200 = tpu.vector_load %arg7[%parallel_loop3A_198, %parallel_loop3A_199] {strides = array<i32>} : memref<16x512xf32, #tpu.memory_space<vmem>>, vector<16xf32>,
        %parallel_loop3A_201 = arith.index_cast %parallel_loop3A_179 : i32 to index
        %parallel_loop3A_202 = arith.index_cast %parallel_loop3A_197 : i32 to index
        %parallel_loop3A_203 = tpu.vector_load %arg8[%parallel_loop3A_201, %parallel_loop3A_202] {strides = array<i32>} : memref<16x512xi32, #tpu.memory_space<vmem>>, vector<16xi32>,
        %parallel_loop3A_204 = arith.constant 1 : i32
        %parallel_loop3A_205 = vector.broadcast %parallel_loop3A_204 : i32 to vector<16xi32>
        %parallel_loop3A_206 = arith.xori %parallel_loop3A_203, %parallel_loop3A_205 : vector<16xi32>
        %parallel_loop3A_207 = tpu.bitcast %parallel_loop3A_200 : vector<16xf32> -> vector<16xi32>
        %parallel_loop3A_208 = arith.shli %parallel_loop3A_206, %broadcast_in_dim3A_37 : vector<16xi32>
        %parallel_loop3A_209 = arith.xori %parallel_loop3A_207, %parallel_loop3A_208 : vector<16xi32>
        %parallel_loop3A_210 = tpu.bitcast %parallel_loop3A_209 : vector<16xi32> -> vector<16xf32>
        %parallel_loop3A_211 = arith.constant 1.000000e+00 : f32
        %parallel_loop3A_212 = vector.broadcast %parallel_loop3A_211 : f32 to vector<16xf32>
        %parallel_loop3A_213 = arith.subf %parallel_loop3A_212, %parallel_loop3A_210 : vector<16xf32>
        %parallel_loop3A_214 = arith.constant 0.000000e+00 : f32
        %parallel_loop3A_215 = vector.broadcast %parallel_loop3A_214 : f32 to vector<16xf32>
        %parallel_loop3A_216 = arith.maximumf %parallel_loop3A_213, %parallel_loop3A_215 : vector<16xf32>
        %parallel_loop3A_217 = tpu.bitcast %parallel_loop3A_213 : vector<16xf32> -> vector<16xi32>
        %parallel_loop3A_218 = arith.shrsi %parallel_loop3A_217, %broadcast_in_dim3A_37 : vector<16xi32>
        %parallel_loop3A_219 = arith.constant -2147483648 : i32
        %parallel_loop3A_220 = vector.broadcast %parallel_loop3A_219 : i32 to vector<16xi32>
        %parallel_loop3A_221 = arith.ori %parallel_loop3A_218, %parallel_loop3A_220 : vector<16xi32>
        %parallel_loop3A_222 = arith.xori %parallel_loop3A_217, %parallel_loop3A_221 : vector<16xi32>
        %parallel_loop3A_223 = arith.shrui %parallel_loop3A_222, %broadcast_in_dim3A_41 : vector<16xi32>
        %parallel_loop3A_224 = arith.constant 127 : i32
        %parallel_loop3A_225 = vector.broadcast %parallel_loop3A_224 : i32 to vector<16xi32>
        %parallel_loop3A_226 = arith.andi %parallel_loop3A_223, %parallel_loop3A_225 : vector<16xi32>
        %parallel_loop3A_227 = arith.shrui %parallel_loop3A_222, %broadcast_in_dim3A_39 : vector<16xi32>
        %parallel_loop3A_228 = arith.shli %parallel_loop3A_206, %broadcast_in_dim3A_43 : vector<16xi32>
        %parallel_loop3A_229 = arith.ori %parallel_loop3A_227, %parallel_loop3A_228 : vector<16xi32>
        %parallel_loop3A_230 = arith.constant 256 : i32
        %parallel_loop3A_231 = vector.broadcast %parallel_loop3A_230 : i32 to vector<16xi32>
        %parallel_loop3A_232 = arith.ori %parallel_loop3A_229, %parallel_loop3A_231 : vector<16xi32>
        tpu.vector_store_idx %arg9[%parallel_loop3A_229, %parallel_loop3A_226], %broadcast_in_dim3A_35 {add = true} : memref<512x128xf32, #tpu.memory_space<vmem>>[vector<16xi32>, vector<16xi32>], vector<16xf32>,
        tpu.vector_store_idx %arg9[%parallel_loop3A_232, %parallel_loop3A_226], %parallel_loop3A_216 {add = true} : memref<512x128xf32, #tpu.memory_space<vmem>>[vector<16xi32>, vector<16xi32>], vector<16xf32>,
      } {sc.loop_unroll_factor = 8 : i64, sc.parallel_access}
    }
    %scan3A_65 = arith.constant 8 : i32
    %dma_wait3A = arith.constant 0 : i32
    %dma_wait3A_66 = arith.constant 0 : i32
    %dma_wait3A_67 = tpu.memref_slice %arg2[%select_n3A, %dma_wait3A, %mul3A_32, %dma_wait3A_66] : memref<16x1x512x512xf32, #tpu.memory_space<hbm>> -> memref<1x1x16x512xf32, #tpu.memory_space<hbm>>
    %dma_wait3A_68 = tpu.memref_squeeze %dma_wait3A_67 : memref<1x1x16x512xf32, #tpu.memory_space<hbm>> -> memref<16x512xf32, #tpu.memory_space<hbm>>
    %dma_wait3A_69 = arith.constant 0 : i32
    %dma_wait3A_70 = tpu.memref_slice %arg2[%select_n3A, %dma_wait3A, %mul3A_32, %dma_wait3A_69] : memref<16x1x512x512xf32, #tpu.memory_space<hbm>> -> memref<1x1x16x512xf32, #tpu.memory_space<hbm>>
    %dma_wait3A_71 = tpu.memref_squeeze %dma_wait3A_70 : memref<1x1x16x512xf32, #tpu.memory_space<hbm>> -> memref<16x512xf32, #tpu.memory_space<hbm>>
    tpu.wait_dma2 semaphore(%arg10 : memref<!tpu.dma_semaphore, #tpu.memory_space<semaphore_mem>>) src(%dma_wait3A_71 : memref<16x512xf32, #tpu.memory_space<hbm>>) dst(%arg5 : memref<16x512xf32, #tpu.memory_space<vmem>>)
    %dma_wait3A_72 = arith.constant 0 : i32
    %dma_wait3A_73 = arith.constant 0 : i32
    %dma_wait3A_74 = tpu.memref_slice %arg3[%select_n3A, %dma_wait3A_72, %mul3A_32, %dma_wait3A_73] : memref<16x1x512x512xi32, #tpu.memory_space<hbm>> -> memref<1x1x16x512xi32, #tpu.memory_space<hbm>>
    %dma_wait3A_75 = tpu.memref_squeeze %dma_wait3A_74 : memref<1x1x16x512xi32, #tpu.memory_space<hbm>> -> memref<16x512xi32, #tpu.memory_space<hbm>>
    %dma_wait3A_76 = arith.constant 0 : i32
    %dma_wait3A_77 = tpu.memref_slice %arg3[%select_n3A, %dma_wait3A_72, %mul3A_32, %dma_wait3A_76] : memref<16x1x512x512xi32, #tpu.memory_space<hbm>> -> memref<1x1x16x512xi32, #tpu.memory_space<hbm>>
    %dma_wait3A_78 = tpu.memref_squeeze %dma_wait3A_77 : memref<1x1x16x512xi32, #tpu.memory_space<hbm>> -> memref<16x512xi32, #tpu.memory_space<hbm>>
    tpu.wait_dma2 semaphore(%arg11 : memref<!tpu.dma_semaphore, #tpu.memory_space<semaphore_mem>>) src(%dma_wait3A_78 : memref<16x512xi32, #tpu.memory_space<hbm>>) dst(%arg6 : memref<16x512xi32, #tpu.memory_space<vmem>>)
    "tpu.region"() ({
      %run_scoped3A = tpu.sem_alloc : memref<!tpu.dma_semaphore, #tpu.memory_space<semaphore_mem>>
      %dma_start3A_79 = arith.constant 0 : i32
      %dma_start3A_80 = arith.constant 0 : i32
      %dma_start3A_81 = tpu.memref_slice %arg4[%add3A, %dma_start3A_79, %dma_start3A_80] : memref<32x512x128xf32, #tpu.memory_space<hbm>> -> memref<1x512x128xf32, #tpu.memory_space<hbm>>
      %dma_start3A_82 = tpu.memref_squeeze %dma_start3A_81 : memref<1x512x128xf32, #tpu.memory_space<hbm>> -> memref<512x128xf32, #tpu.memory_space<hbm>>
      %dma_start3A_83 = arith.constant 0 : i32
      %dma_start3A_84 = arith.constant 0 : i32
      %dma_start3A_85 = tpu.memref_slice %arg4[%add3A, %dma_start3A_83, %dma_start3A_84] : memref<32x512x128xf32, #tpu.memory_space<hbm>> -> memref<1x512x128xf32, #tpu.memory_space<hbm>>
      %dma_start3A_86 = tpu.memref_squeeze %dma_start3A_85 : memref<1x512x128xf32, #tpu.memory_space<hbm>> -> memref<512x128xf32, #tpu.memory_space<hbm>>
      tpu.enqueue_dma source(%arg9 : memref<512x128xf32, #tpu.memory_space<vmem>>) target(%dma_start3A_86 : memref<512x128xf32, #tpu.memory_space<hbm>>) target_semaphore(%run_scoped3A : memref<!tpu.dma_semaphore, #tpu.memory_space<semaphore_mem>>)
      %dma_wait3A_87 = arith.constant 0 : i32
      %dma_wait3A_88 = arith.constant 0 : i32
      %dma_wait3A_89 = tpu.memref_slice %arg4[%add3A, %dma_wait3A_87, %dma_wait3A_88] : memref<32x512x128xf32, #tpu.memory_space<hbm>> -> memref<1x512x128xf32, #tpu.memory_space<hbm>>
      %dma_wait3A_90 = tpu.memref_squeeze %dma_wait3A_89 : memref<1x512x128xf32, #tpu.memory_space<hbm>> -> memref<512x128xf32, #tpu.memory_space<hbm>>
      %dma_wait3A_91 = arith.constant 0 : i32
      %dma_wait3A_92 = arith.constant 0 : i32
      %dma_wait3A_93 = tpu.memref_slice %arg4[%add3A, %dma_wait3A_91, %dma_wait3A_92] : memref<32x512x128xf32, #tpu.memory_space<hbm>> -> memref<1x512x128xf32, #tpu.memory_space<hbm>>
      %dma_wait3A_94 = tpu.memref_squeeze %dma_wait3A_93 : memref<1x512x128xf32, #tpu.memory_space<hbm>> -> memref<512x128xf32, #tpu.memory_space<hbm>>
      tpu.wait_dma2 semaphore(%run_scoped3A : memref<!tpu.dma_semaphore, #tpu.memory_space<semaphore_mem>>) src(%arg9 : memref<512x128xf32, #tpu.memory_space<vmem>>) dst(%dma_wait3A_94 : memref<512x128xf32, #tpu.memory_space<hbm>>)
      tpu.yield
    }) : () -> ()
    return
  }
}

module attributes {stable_mosaic.version = 14 : i64} {
  func.func @_tc_post_kernel(%arg0: memref<32x512x128xf32, #tpu.memory_space<vmem>>, %arg1: memref<1x1xf32, #tpu.memory_space<smem>>) attributes {dimension_semantics = [], scalar_prefetch = 0 : i64, scratch_operands = 0 : i64, tpu.core_type = #tpu.core_type<tc>} {
    %get3A = arith.constant 0 : index
    %get3A_0 = arith.constant 0 : index
    %get3A_1 = arith.constant 0 : index
    %get3A_2 = vector.load %arg0[%get3A, %get3A_0, %get3A_1] : memref<32x512x128xf32, #tpu.memory_space<vmem>>, vector<32x512x128xf32>
    %reduce_sum3A = arith.constant dense<0.000000e+00> : vector<512x128xf32>
    %reduce_sum3A_3 = vector.multi_reduction <add>, %get3A_2, %reduce_sum3A [0] : vector<32x512x128xf32> to vector<512x128xf32>
    %slice3A = vector.extract_strided_slice %reduce_sum3A_3 {offsets = [0, 0], sizes = [128, 128], strides = [1, 1]} : vector<512x128xf32> to vector<128x128xf32>
    %slice3A_4 = vector.extract_strided_slice %reduce_sum3A_3 {offsets = [128, 0], sizes = [128, 128], strides = [1, 1]} : vector<512x128xf32> to vector<128x128xf32>
    %slice3A_5 = vector.extract_strided_slice %reduce_sum3A_3 {offsets = [256, 0], sizes = [128, 128], strides = [1, 1]} : vector<512x128xf32> to vector<128x128xf32>
    %slice3A_6 = vector.extract_strided_slice %reduce_sum3A_3 {offsets = [384, 0], sizes = [128, 128], strides = [1, 1]} : vector<512x128xf32> to vector<128x128xf32>
    %iota3A = tpu.iota {dimensions = array<i32: 0>} : vector<128x128xi32>
    %iota3A_7 = tpu.iota {dimensions = array<i32: 1>} : vector<128x128xi32>
    %le3A = arith.cmpi sle, %iota3A, %iota3A_7 : vector<128x128xi32>
    %convert_element_type3A = arith.extui %le3A : vector<128x128xi1> to vector<128x128xi32>
    %convert_element_type3A_8 = arith.sitofp %convert_element_type3A : vector<128x128xi32> to vector<128x128xf32>
    %lt3A = arith.cmpi slt, %iota3A_7, %iota3A : vector<128x128xi32>
    %convert_element_type3A_9 = arith.extui %lt3A : vector<128x128xi1> to vector<128x128xi32>
    %convert_element_type3A_10 = arith.sitofp %convert_element_type3A_9 : vector<128x128xi32> to vector<128x128xf32>
    %dot_general3A = arith.constant dense<0.000000e+00> : vector<128x128xf32>
    %dot_general3A_11 = tpu.matmul %slice3A_4, %convert_element_type3A_8, %dot_general3A {dimension_numbers = #tpu.dot_dimension_numbers<[1], [0], [0], [1], [0, 0, 1, 1], [], []>, transpose_lhs_hint = false} : vector<128x128xf32>, vector<128x128xf32>, vector<128x128xf32> -> vector<128x128xf32>
    %reduce_sum3A_12 = arith.constant dense<0.000000e+00> : vector<128xf32>
    %reduce_sum3A_13 = vector.multi_reduction <add>, %slice3A_4, %reduce_sum3A_12 [1] : vector<128x128xf32> to vector<128xf32>
    %broadcast_in_dim3A = vector.shape_cast %reduce_sum3A_13 : vector<128xf32> to vector<128x1xf32>
    %dot_general3A_14 = arith.constant dense<0.000000e+00> : vector<128x1xf32>
    %dot_general3A_15 = tpu.matmul %convert_element_type3A_10, %broadcast_in_dim3A, %dot_general3A_14 {dimension_numbers = #tpu.dot_dimension_numbers<[1], [0], [0], [1], [0, 0, 1, 1], [], []>, transpose_lhs_hint = false} : vector<128x128xf32>, vector<128x1xf32>, vector<128x1xf32> -> vector<128x1xf32>
    %add3A = vector.broadcast %dot_general3A_15 : vector<128x1xf32> to vector<128x128xf32>
    %add3A_16 = arith.addf %dot_general3A_11, %add3A : vector<128x128xf32>
    %dot_general3A_17 = arith.constant dense<0.000000e+00> : vector<128x128xf32>
    %dot_general3A_18 = tpu.matmul %slice3A, %convert_element_type3A_8, %dot_general3A_17 {dimension_numbers = #tpu.dot_dimension_numbers<[1], [0], [0], [1], [0, 0, 1, 1], [], []>, transpose_lhs_hint = false} : vector<128x128xf32>, vector<128x128xf32>, vector<128x128xf32> -> vector<128x128xf32>
    %reduce_sum3A_19 = arith.constant dense<0.000000e+00> : vector<128xf32>
    %reduce_sum3A_20 = vector.multi_reduction <add>, %slice3A, %reduce_sum3A_19 [1] : vector<128x128xf32> to vector<128xf32>
    %broadcast_in_dim3A_21 = vector.shape_cast %reduce_sum3A_20 : vector<128xf32> to vector<128x1xf32>
    %dot_general3A_22 = arith.constant dense<0.000000e+00> : vector<128x1xf32>
    %dot_general3A_23 = tpu.matmul %convert_element_type3A_10, %broadcast_in_dim3A_21, %dot_general3A_22 {dimension_numbers = #tpu.dot_dimension_numbers<[1], [0], [0], [1], [0, 0, 1, 1], [], []>, transpose_lhs_hint = false} : vector<128x128xf32>, vector<128x1xf32>, vector<128x1xf32> -> vector<128x1xf32>
    %add3A_24 = vector.broadcast %dot_general3A_23 : vector<128x1xf32> to vector<128x128xf32>
    %add3A_25 = arith.addf %dot_general3A_18, %add3A_24 : vector<128x128xf32>
    %reduce_sum3A_26 = vector.shape_cast %slice3A_4 : vector<128x128xf32> to vector<1x128x128xf32>
    %reduce_sum3A_27 = arith.constant dense<0.000000e+00> : vector<1xf32>
    %reduce_sum3A_28 = vector.multi_reduction <add>, %reduce_sum3A_26, %reduce_sum3A_27 [1, 2] : vector<1x128x128xf32> to vector<1xf32>
    %reduce_sum3A_29 = vector.shape_cast %reduce_sum3A_28 : vector<1xf32> to vector<1x1x1xf32>
    %reduce_sum3A_30 = vector.extract %reduce_sum3A_29[0, 0, 0] : f32 from vector<1x1x1xf32>
    %reduce_sum3A_31 = vector.shape_cast %slice3A : vector<128x128xf32> to vector<1x128x128xf32>
    %reduce_sum3A_32 = arith.constant dense<0.000000e+00> : vector<1xf32>
    %reduce_sum3A_33 = vector.multi_reduction <add>, %reduce_sum3A_31, %reduce_sum3A_32 [1, 2] : vector<1x128x128xf32> to vector<1xf32>
    %reduce_sum3A_34 = vector.shape_cast %reduce_sum3A_33 : vector<1xf32> to vector<1x1x1xf32>
    %reduce_sum3A_35 = vector.extract %reduce_sum3A_34[0, 0, 0] : f32 from vector<1x1x1xf32>
    %sub3A = vector.broadcast %reduce_sum3A_30 : f32 to vector<128x128xf32>
    %sub3A_36 = arith.subf %sub3A, %add3A_16 : vector<128x128xf32>
    %sub3A_37 = vector.broadcast %reduce_sum3A_35 : f32 to vector<128x128xf32>
    %sub3A_38 = arith.subf %sub3A_37, %add3A_25 : vector<128x128xf32>
    %add3A_39 = vector.broadcast %reduce_sum3A_35 : f32 to vector<128x128xf32>
    %add3A_40 = arith.addf %add3A_39, %sub3A_36 : vector<128x128xf32>
    %mul3A = arith.constant 5.000000e-01 : f32
    %mul3A_41 = vector.broadcast %mul3A : f32 to vector<128x128xf32>
    %mul3A_42 = arith.mulf %mul3A_41, %slice3A_4 : vector<128x128xf32>
    %add3A_43 = arith.addf %add3A_40, %mul3A_42 : vector<128x128xf32>
    %max3A = arith.constant 5.000000e-01 : f32
    %max3A_44 = vector.broadcast %max3A : f32 to vector<128x128xf32>
    %max3A_45 = arith.maximumf %add3A_43, %max3A_44 : vector<128x128xf32>
    %div3A = arith.divf %slice3A_5, %max3A_45 : vector<128x128xf32>
    %sub3A_46 = arith.constant 1.000000e+00 : f32
    %sub3A_47 = vector.broadcast %sub3A_46 : f32 to vector<128x128xf32>
    %sub3A_48 = arith.subf %slice3A_4, %sub3A_47 : vector<128x128xf32>
    %mul3A_49 = arith.constant 5.000000e-01 : f32
    %mul3A_50 = vector.broadcast %mul3A_49 : f32 to vector<128x128xf32>
    %mul3A_51 = arith.mulf %mul3A_50, %sub3A_48 : vector<128x128xf32>
    %add3A_52 = arith.addf %sub3A_36, %mul3A_51 : vector<128x128xf32>
    %add3A_53 = vector.broadcast %reduce_sum3A_35 : f32 to vector<128x128xf32>
    %add3A_54 = arith.addf %add3A_53, %add3A_52 : vector<128x128xf32>
    %add3A_55 = vector.broadcast %reduce_sum3A_35 : f32 to vector<128x128xf32>
    %add3A_56 = arith.addf %add3A_55, %add3A_52 : vector<128x128xf32>
    %add3A_57 = arith.constant 1.000000e+00 : f32
    %add3A_58 = vector.broadcast %add3A_57 : f32 to vector<128x128xf32>
    %add3A_59 = arith.addf %add3A_56, %add3A_58 : vector<128x128xf32>
    %mul3A_60 = arith.mulf %add3A_54, %add3A_59 : vector<128x128xf32>
    %max3A_61 = arith.constant 5.000000e-01 : f32
    %max3A_62 = vector.broadcast %max3A_61 : f32 to vector<128x128xf32>
    %max3A_63 = arith.maximumf %mul3A_60, %max3A_62 : vector<128x128xf32>
    %mul3A_64 = arith.constant 5.000000e-01 : f32
    %mul3A_65 = vector.broadcast %mul3A_64 : f32 to vector<128x128xf32>
    %mul3A_66 = arith.mulf %mul3A_65, %slice3A : vector<128x128xf32>
    %add3A_67 = arith.addf %sub3A_38, %mul3A_66 : vector<128x128xf32>
    %sub3A_68 = vector.broadcast %reduce_sum3A_35 : f32 to vector<128x128xf32>
    %sub3A_69 = arith.subf %sub3A_68, %add3A_67 : vector<128x128xf32>
    %mul3A_70 = arith.mulf %slice3A_6, %sub3A_69 : vector<128x128xf32>
    %div3A_71 = arith.divf %mul3A_70, %max3A_63 : vector<128x128xf32>
    %add3A_72 = arith.addf %div3A, %div3A_71 : vector<128x128xf32>
    %reduce_sum3A_73 = vector.shape_cast %add3A_72 : vector<128x128xf32> to vector<1x128x128xf32>
    %reduce_sum3A_74 = arith.constant dense<0.000000e+00> : vector<1xf32>
    %reduce_sum3A_75 = vector.multi_reduction <add>, %reduce_sum3A_73, %reduce_sum3A_74 [1, 2] : vector<1x128x128xf32> to vector<1xf32>
    %reduce_sum3A_76 = vector.shape_cast %reduce_sum3A_75 : vector<1xf32> to vector<1x1x1xf32>
    %reduce_sum3A_77 = vector.extract %reduce_sum3A_76[0, 0, 0] : f32 from vector<1x1x1xf32>
    %swap3A = arith.constant 0 : index
    %swap3A_78 = arith.constant 0 : index
    %swap3A_79 = memref.load %arg1[%swap3A, %swap3A_78] : memref<1x1xf32, #tpu.memory_space<smem>>
    memref.store %reduce_sum3A_77, %arg1[%swap3A, %swap3A_78] : memref<1x1xf32, #tpu.memory_space<smem>>
    return
  }
}

</mosaic_0001>

<sc_bundles>
// kernel: kernel.4.cloned.1.call-start
scs
__scs_entry_jumppad:
0x0: {  	(pc) =	sbr.rel $0x88, $3  }
0x1: {  	(tag) =	ssettag $0x0;
	lr =	simm.s32 $0x1  }
0x2: {  	[smem:$0x3F9F] =	sst lr;
	_ =	strace $0xD0000000  }
0x3: {  	_ = 	snop  }
0x4: {  	_ = 	snop  }
0x5: {  	_ = 	snop  }
0x6: {  	_ = 	snop  }
0x7: {  	_ = 	snop  }
__scs_overlays_trampoline_lowered:
0x8: {  	[smem:$0x3FAE] =	sst s0  }
0x9: {  	[smem:$0x3FAF] =	sst s1  }
0xa: {  	[smem:$0x3FB0] =	sst s2  }
0xb: {  	[smem:$0x3FB1] =	sst s3  }
0xc: {  	[smem:$0x3FB2] =	sst s4  }
0xd: {  	[smem:$0x3FB3] =	sst s5  }
0xe: {  	[smem:$0x3FB4] =	sst s6  }
0xf: {  	[smem:$0x3FB5] =	sst s7  }
0x10: {  	[smem:$0x3FB6] =	sst s8  }
0x11: {  	[smem:$0x3FB7] =	sst s9;
	s0 =	simm.s32 @!p0 $0x0  }
0x12: {  	s1 =	sld [smem:$0x3F9D];
	s0 =	simm.s32 @p0 $0x1  }
0x13: {  	[smem:$0x3FB8] =	sst s0;
	s0 =	simm.s32 @!p1 $0x0  }
0x14: {  	s2 =	sld [smem:$0x3F9C];
	s0 =	simm.s32 @p1 $0x1  }
0x15: {  	[smem:$0x3FB9] =	sst s0;
	s0 =	simm.s32 @!p2 $0x0  }
0x16: {  	s3 =	sld [smem:$0x3FDB];
	s0 =	simm.s32 @p2 $0x1  }
0x17: {  	s4 =	simm.s32 $0x1BF5;
	[smem:$0x3FBB] =	sst s0  }
0x18: {  	s0 =	sld [smem:$0x3F9E];
	_ =	swait.ge [sflag:s4], $0x0  }
0x19: {  	s7 =	sld [smem:$0x3F9F]  }
0x1a: {  	s8 =	sadd.s32 $0xFFFFE003, lr  }
0x1b: {  	s9 =	sadd.s32 $0xFFFFFEF7, lr;
	s5 =	simm.s32 $0xFFFFFFFF;
	p2 =	slt.u32 s8, $0xFFFFF086  }
0x1c: {  	p1 =	slt.u32 s9, $0xF7A;
	s5 =	simm.s32 @!p2 $0x0  }
0x1d: {  	s5 =	simm.s32 @p1 $0x1;
	p0 =	seq.s32 s7, s2  }
0x1e: {  	s7 =	smul.u32 @!p0 $0xF7A, s2;
	p2 =	seq.s32 @!p0 s5, $0x0  }
0x1f: {  	s9 =	smul.u32 $0xF7A, s1;
	s8 =	simm.s32 @!p0 $0x1BF5;
	p2 =	por !p2, p0  }
0x20: {  	[sflag:s8] =	ssyncset.s32 @!p0 $0xFFFFF086;
	s6 =	sadd.s32 @!p0 s3, s7;
	s7 =	simm.s32 @!p0 $0x108  }
0x21: {  	s3 =	sadd.s32 s3, s9;
	s6 =	sadd.s32 @!p0 $0x88, s6;
	s7 =	simm.s32 @p2 $0x1082  }
0x22: {  	[simem:s7], [sflag:s8] =	dma.local @!p0 [hbm:s6], $0xF7A  }
0x23: {  	s9 =	sor.u32 $0xD0000000, s2;
	s6 =	simm.s32 $0x108;
	_ =	swait.ge @!p0 [sflag:s8], $0x0  }
0x24: {  	s3 =	sadd.s32 $0x88, s3;
	s6 =	simm.s32 @!p1 $0x1082;
	[sflag:s4] =	ssyncset.s32 $0xFFFFF086  }
0x25: {  	[simem:s6], [sflag:s4] =	dma.local [hbm:s3], $0xF7A  }
0x26: {  	[smem:$0x3F9F] =	sst s1;
	(tag) =	ssettag s2;
	_ =	strace s9  }
0x27: {  	s1 =	sld [smem:$0x3FAF]  }
0x28: {  	s2 =	sld [smem:$0x3FB0]  }
0x29: {  	s4 =	sld [smem:$0x3FB2]  }
0x2a: {  	p0 =	seq.s32 s5, $0x0;
	s5 =	sld [smem:$0x3FB3]  }
0x2b: {  	s6 =	sld [smem:$0x3FB4]  }
0x2c: {  	s7 =	sld [smem:$0x3FB5]  }
0x2d: {  	s3 =	simm.s32 $0x108;
	s8 =	sld [smem:$0x3FB6]  }
0x2e: {  	s3 =	simm.s32 @!p0 $0x1082;
	s9 =	sld [smem:$0x3FB7]  }
0x2f: {  	lr =	sadd.s32 s0, s3;
	s0 =	sld [smem:$0x3FAE]  }
0x30: {  	s3 =	sld [smem:$0x3FB1]  }
0x31: {  	[smem:$0x3FBA] =	sst s10  }
0x32: {  	s10 =	sld [smem:$0x3FB8];
	_ =	sdelay $0x3  }
0x33: {  	p0 =	seq.s32 s10, $0x1;
	s10 =	sld [smem:$0x3FBA];
	_ =	sdelay $0x3  }
0x34: {  	[smem:$0x3FBA] =	sst s10  }
0x35: {  	s10 =	sld [smem:$0x3FB9];
	_ =	sdelay $0x3  }
0x36: {  	p1 =	seq.s32 s10, $0x1;
	s10 =	sld [smem:$0x3FBA];
	_ =	sdelay $0x3  }
0x37: {  	[smem:$0x3FBA] =	sst s10  }
0x38: {  	s10 =	sld [smem:$0x3FBB]  }
0x39: {  	_ = 	snop;
	(pc) =	sbr.ind lr, $3  }
0x3a: {  	_ = 	snop  }
0x3b: {  	_ = 	snop  }
0x3c: {  	p2 =	seq.s32 s10, $0x1;
	s10 =	sld [smem:$0x3FBA]  }
0x3d: {  	_ =	shalt  }
0x3e: {  	_ =	shalt  }
0x3f: {  	_ =	shalt  }
0x40: {  	_ =	shalt  }
0x41: {  	_ =	shalt  }
0x42: {  	_ =	shalt  }
0x43: {  	_ =	shalt  }
0x44: {  	_ =	shalt  }
0x45: {  	_ =	shalt  }
0x46: {  	_ =	shalt  }
0x47: {  	_ =	shalt  }
0x48: {  	_ =	shalt  }
0x49: {  	_ =	shalt  }
0x4a: {  	_ =	shalt  }
0x4b: {  	_ =	shalt  }
0x4c: {  	_ =	shalt  }
0x4d: {  	_ =	shalt  }
0x4e: {  	_ =	shalt  }
0x4f: {  	_ =	shalt  }
0x50: {  	_ =	shalt  }
0x51: {  	_ =	shalt  }
0x52: {  	_ =	shalt  }
0x53: {  	_ =	shalt  }
0x54: {  	_ =	shalt  }
0x55: {  	_ =	shalt  }
0x56: {  	_ =	shalt  }
0x57: {  	_ =	shalt  }
0x58: {  	_ =	shalt  }
0x59: {  	_ =	shalt  }
0x5a: {  	_ =	shalt  }
0x5b: {  	_ =	shalt  }
0x5c: {  	_ =	shalt  }
0x5d: {  	_ =	shalt  }
0x5e: {  	_ =	shalt  }
0x5f: {  	_ =	shalt  }
0x60: {  	_ =	shalt  }
0x61: {  	_ =	shalt  }
0x62: {  	_ =	shalt  }
0x63: {  	_ =	shalt  }
0x64: {  	_ =	shalt  }
0x65: {  	_ =	shalt  }
0x66: {  	_ =	shalt  }
0x67: {  	_ =	shalt  }
0x68: {  	_ =	shalt  }
0x69: {  	_ =	shalt  }
0x6a: {  	_ =	shalt  }
0x6b: {  	_ =	shalt  }
0x6c: {  	_ =	shalt  }
0x6d: {  	_ =	shalt  }
0x6e: {  	_ =	shalt  }
0x6f: {  	_ =	shalt  }
0x70: {  	_ =	shalt  }
0x71: {  	_ =	shalt  }
0x72: {  	_ =	shalt  }
0x73: {  	_ =	shalt  }
0x74: {  	_ =	shalt  }
0x75: {  	_ =	shalt  }
0x76: {  	_ =	shalt  }
0x77: {  	_ =	shalt  }
0x78: {  	_ =	shalt  }
0x79: {  	_ =	shalt  }
0x7a: {  	_ =	shalt  }
0x7b: {  	_ =	shalt  }
0x7c: {  	_ =	shalt  }
0x7d: {  	_ =	shalt  }
0x7e: {  	_ =	shalt  }
0x7f: {  	_ =	shalt  }
0x80: {  	_ =	shalt  }
0x81: {  	_ =	shalt  }
0x82: {  	_ =	shalt  }
0x83: {  	_ =	shalt  }
0x84: {  	_ =	shalt  }
0x85: {  	_ =	shalt  }
0x86: {  	_ =	shalt  }
0x87: {  	_ =	shalt  }
.Lfunc_end0:
.L_simem_size_0:
called_computation_lowered:
.L_overlay_start_0:
0x88: {  	s2 =	sld [smem:$0x3FD9]  }
0x89: {  	s3 =	sld [smem:$0x3FFE];
	_ =	sdelay $0x1  }
0x8a: {  	s1 =	srdreg.scid  }
0x8b: {  	s0 =	sand.u32 $0x1, s1  }
0x8c: {  	s17 =	sshll.u32 s0, $0xA;
	s2 =	sadd.s32 s3, s2  }
0x8d: {  	s2 =	sadd.s32 s2, s17  }
0x8e: {  	[smem:$0x3FC6] =	sst s2  }
0x8f: {  	_ = 	snop  }
0x90: {  	s2 =	sld [smem:$0x3FC9]  }
0x91: {  	s18 =	sld [smem:$0x3FC8];
	(tm) =	ssettm $0x1  }
0x92: {  	s4 =	sld [smem:$0x3FFB];
	_ =	sdelay $0x3  }
0x93: {  	_ =	strace s4  }
0x94: {  	s4 =	sld [smem:$0x3FFC];
	_ =	sdelay $0x3  }
0x95: {  	_ =	strace s4  }
0x96: {  	s4 =	sld [smem:$0x3FFD];
	_ =	sdelay $0x3  }
0x97: {  	_ =	strace s4  }
0x98: {  	_ =	strace $0x8FFFFFFF  }
0x99: {  	s19 =	sld [smem:$0x3FDB];
	_ =	sdelay $0x1  }
0x9a: {  	s5 =	simm.s32 $_scs_section_size  }
0x9b: {  	s6 =	simm.s32 $_size__tile_overlayer_lowered;
	s7 =	simm.s32 $_tile_overlayer_lowered  }
0x9c: {  	s22 =	simm.s32 $0x1BFF;
	s21 =	sshll.u32 s7, $0x1;
	s4 =	sadd.s32 s5, s19  }
0x9d: {  	s8 =	simm.s32 $0x0;
	s20 =	sshll.u32 s6, $0x1;
	s6 =	sadd.s32 s21, s4  }
0x9e: {  	[timem:s8], [sflag:s22] =	dma.local [hbm:s6], s20  }
0x9f: {  	_ =	swait.ge [sflag:s22], s20  }
0xa0: {  	s5 =	ssub.s32 $0x0, s20;
	[sflag:s22] =	ssyncset.done $0x0  }
0xa1: {  	[sflag:s22] =	ssyncadd.s32 s5;
	_ =	sdelay $0x1  }
0xa2: {  	s23 =	simm.s32 $0x1B8B  }
0xa3: {  	_ =	swait.ge [sflag:s23], $0x1  }
0xa4: {  	[sflag:s23] =	ssyncset.done $0x0  }
0xa5: {  	s25 =	simm.s32 $0x1B8E;
	s24 =	sld [smem:$0x3FFE];
	[sflag:s23] =	ssyncadd.s32 $0xFFFFFFFF  }
0xa6: {  	s26 =	simm.s32 $execute0_lowered;
	[smem:$0x3FD2] =	sst s25  }
0xa7: {  	s6 =	sshll.u32 s26, $0x1;
	_ =	strace $0x80000046;
	[dreg:$0x1] =	wrdreg $0xFFFFFFFF  }
0xa8: {  	s28 =	simm.s32 $_size_execute0_lowered;
	s4 =	sadd.s32 s4, s6;
	[dreg:$0x0] =	wrdreg $0x0  }
0xa9: {  	s6 =	sshll.u32 s28, $0x1;
	[dreg:$0x2] =	wrdreg s4  }
0xaa: {  	[dreg:$0x3] =	wrdreg s6  }
0xab: {  	[dreg:$0x4] =	wrdreg $0xC0  }
0xac: {  	_ =	task [dreg:s8], $0x5FFFF  }
0xad: {  	[dreg:$0x1] =	wrdreg $0xFFFFFFFF  }
0xae: {  	[dreg:$0x0] =	wrdreg $0x60  }
0xaf: {  	[dreg:$0x2] =	wrdreg s2  }
0xb0: {  	[dreg:$0x3] =	wrdreg s18  }
0xb1: {  	[dreg:$0x4] =	wrdreg s24  }
0xb2: {  	[dreg:$0x5] =	wrdreg $0x9  }
0xb3: {  	_ =	task.clear_ibuf [dreg:s8], $0x6FFFF;
	_ =	strace $0x90000046  }
0xb4: {  	s29 =	simm.s32 $0x9;
	_ =	strace $0x80000048  }
0xb5: {  	_ =	swait.ge [sflag:s29], $0x1  }
0xb6: {  	[sflag:s29] =	ssyncadd.s32 $0xFFFFFFFF  }
0xb7: {  	_ =	strace $0x90000048  }
0xb8: {  	_ =	sfence  }
0xb9: {  	s30 =	sld [smem:$0x0];
	_ =	sdelay $0x2  }
0xba: {  	s31 =	sshll.u32 s1, $0xD;
	s1 =	sshrl.u32 s1, $0x2  }
0xbb: {  	s3 =	sand.u32 $0x4000, s31;
	s1 =	sadd.s32 s1, s30  }
0xbc: {  	s0 =	sor.u32 s3, s0;
	s1 =	sshll.u32 s1, $0x11  }
0xbd: {  	s0 =	sor.u32 s1, s0  }
0xbe: {  	s0 =	sadd.s32 $0x8F2B, s0  }
0xbf: {  	[sflag:s0] =	ssyncadd.remote.s32 $0x1  }
0xc0: {  	_ =	sfence.sel $0xFFFF  }
0xc1: {  	[dreg:$0x0] =	wrdreg $0xFFFFFFFF;
	(pc) =	sbr.abs _section_cstart, $3  }
0xc2: {  	[dreg:$0x1] =	wrdreg $0xFFFFFFFF  }
0xc3: {  	_ =	task.clear_ibuf [dreg:s8], $0x2FFFF;
	_ =	strace $0x9FFFFFFF  }
0xc4: {  	(tm) =	ssettm $0x7FFFFFFF  }
0xc5: {  	_ =	shalt  }
tec
execute0_lowered:
.L_overlay_start_1:
0x0: {  	(tag) =	ssettag $0x1  }
0x1: {  	s1 =	rddreg [dreg:$0x0]  }
0x2: {  	s2 =	srdreg.scid;
	s3 =	rddreg [dreg:$0x1]  }
0x3: {  	s0 =	stileid.u32;
	s7 =	rddreg [dreg:$0x2]  }
0x4: {  	s4 =	simm.s32 $0x0;
	s8 =	simm.s32 $0x1;
	s13 =	simm.s32 $0x2  }
0x5: {  	s14 =	simm.s32 $0x4000;
	s5 =	sand.u32 $0x1, s2;
	s29 =	sshll.u32 s0, $0x1  }
0x6: {  	s15 =	simm.s32 $0x6000;
	s16 =	simm.s32 $0x8000;
	s6 =	sor.u32 s5, s29  }
0x7: {  	s17 =	simm.s32 $0x3;
	p1 =	seq.s32 s5, $0x1;
	p0 =	seq.s32 s6, $0x0  }
0x8: {  	s18 =	simm.s32 $0x4;
	s19 =	simm.s32 $0x5;
	p0 =	por !p0, !p1  }
0x9: {  	s20 =	simm.s32 $0x0;
	[smem:$0x7FF] =	sst s4;
	p0 =	por !p0, !p0  }
0xa: {  	s2 =	rddreg [dreg:$0x3];
	_ =	strace $0x80000047;
	s8 =	simm.s32 @!p0 $0x0  }
0xb: {  	s9 =	ssub.s32 $0x2, s5;
	s5 =	sshll.u32 s5, $0x11;
	s8 =	ssub.s32 s0, s8  }
0xc: {  	s6 =	sshll.u32 s6, $0xD;
	s30 =	sshrl.u32 s9, $0x1;
	s8 =	sshll.u32 s8, $0x12  }
0xd: {  	s10 =	sadd.s32 s6, s7;
	s12 =	ssub.s32 s9, s30;
	s11 =	sor.u32 s5, s8  }
0xe: {  	s10 =	sadd.s32 $0x600, s10;
	s5 =	simm.s32 $0x1;
	s31 =	sshrl.u32 s11, $0x3  }
0xf: {  	s8 =	sor.u32 $0x2000, s11;
	s9 =	sor.u32 $0x4000, s11;
	s11 =	smax.u32 s12, $0x1  }
0x10: {  	v0 =	vimm.f32 $0.0e+00;
	v1 =	vimm.f32 $1.000000000e+00;
	s12 =	simm.s32 $0x2000;
	s6 =	sadd.s32 s1, s31;
	s7 =	sadd.s32 s3, s31  }
.LBB2_1:
0x11: {  	s21 =	simm.s32 $0x8200  }
0x12: {  	[tilespmem:s21+$0xFFFFFE00] =	vst v0  }
0x13: {  	[tilespmem:s21+$0x1F0] =	vst v0  }
0x14: {  	[tilespmem:s21+$0x1E0] =	vst v0  }
0x15: {  	[tilespmem:s21+$0x1D0] =	vst v0  }
0x16: {  	[tilespmem:s21+$0x1C0] =	vst v0  }
0x17: {  	[tilespmem:s21+$0x1B0] =	vst v0  }
0x18: {  	[tilespmem:s21+$0x1A0] =	vst v0  }
0x19: {  	[tilespmem:s21+$0x190] =	vst v0  }
0x1a: {  	[tilespmem:s21+$0x180] =	vst v0  }
0x1b: {  	[tilespmem:s21+$0x170] =	vst v0  }
0x1c: {  	[tilespmem:s21+$0x160] =	vst v0  }
0x1d: {  	[tilespmem:s21+$0x150] =	vst v0  }
0x1e: {  	[tilespmem:s21+$0x140] =	vst v0  }
0x1f: {  	[tilespmem:s21+$0x130] =	vst v0  }
0x20: {  	[tilespmem:s21+$0x120] =	vst v0  }
0x21: {  	[tilespmem:s21+$0x110] =	vst v0  }
0x22: {  	[tilespmem:s21+$0x100] =	vst v0  }
0x23: {  	[tilespmem:s21+$0xF0] =	vst v0  }
0x24: {  	[tilespmem:s21+$0xE0] =	vst v0  }
0x25: {  	[tilespmem:s21+$0xD0] =	vst v0  }
0x26: {  	[tilespmem:s21+$0xC0] =	vst v0  }
0x27: {  	[tilespmem:s21+$0xB0] =	vst v0  }
0x28: {  	[tilespmem:s21+$0xA0] =	vst v0  }
0x29: {  	[tilespmem:s21+$0x90] =	vst v0  }
0x2a: {  	[tilespmem:s21+$0x80] =	vst v0  }
0x2b: {  	[tilespmem:s21+$0x70] =	vst v0  }
0x2c: {  	[tilespmem:s21+$0x60] =	vst v0  }
0x2d: {  	[tilespmem:s21+$0x50] =	vst v0  }
0x2e: {  	[tilespmem:s21+$0x40] =	vst v0  }
0x2f: {  	[tilespmem:s21+$0x30] =	vst v0  }
0x30: {  	[tilespmem:s21+$0x20] =	vst v0  }
0x31: {  	[tilespmem:s21+$0x10] =	vst v0  }
0x32: {  	[tilespmem:s21+$0x0] =	vst v0  }
0x33: {  	[tilespmem:s21+$0xFFFFFFF0] =	vst v0  }
0x34: {  	[tilespmem:s21+$0xFFFFFFE0] =	vst v0  }
0x35: {  	[tilespmem:s21+$0xFFFFFFD0] =	vst v0  }
0x36: {  	[tilespmem:s21+$0xFFFFFFC0] =	vst v0  }
0x37: {  	[tilespmem:s21+$0xFFFFFFB0] =	vst v0  }
0x38: {  	[tilespmem:s21+$0xFFFFFFA0] =	vst v0  }
0x39: {  	[tilespmem:s21+$0xFFFFFF90] =	vst v0  }
0x3a: {  	[tilespmem:s21+$0xFFFFFF80] =	vst v0  }
0x3b: {  	[tilespmem:s21+$0xFFFFFF70] =	vst v0  }
0x3c: {  	[tilespmem:s21+$0xFFFFFF60] =	vst v0  }
0x3d: {  	[tilespmem:s21+$0xFFFFFF50] =	vst v0  }
0x3e: {  	[tilespmem:s21+$0xFFFFFF40] =	vst v0  }
0x3f: {  	[tilespmem:s21+$0xFFFFFF30] =	vst v0  }
0x40: {  	[tilespmem:s21+$0xFFFFFF20] =	vst v0  }
0x41: {  	[tilespmem:s21+$0xFFFFFF10] =	vst v0  }
0x42: {  	[tilespmem:s21+$0xFFFFFF00] =	vst v0  }
0x43: {  	[tilespmem:s21+$0xFFFFFEF0] =	vst v0  }
0x44: {  	[tilespmem:s21+$0xFFFFFEE0] =	vst v0  }
0x45: {  	[tilespmem:s21+$0xFFFFFED0] =	vst v0  }
0x46: {  	[tilespmem:s21+$0xFFFFFEC0] =	vst v0  }
0x47: {  	[tilespmem:s21+$0xFFFFFEB0] =	vst v0  }
0x48: {  	[tilespmem:s21+$0xFFFFFEA0] =	vst v0  }
0x49: {  	[tilespmem:s21+$0xFFFFFE90] =	vst v0  }
0x4a: {  	[tilespmem:s21+$0xFFFFFE80] =	vst v0  }
0x4b: {  	[tilespmem:s21+$0xFFFFFE70] =	vst v0  }
0x4c: {  	[tilespmem:s21+$0xFFFFFE60] =	vst v0  }
0x4d: {  	[tilespmem:s21+$0xFFFFFE50] =	vst v0  }
0x4e: {  	[tilespmem:s21+$0xFFFFFE40] =	vst v0  }
0x4f: {  	[tilespmem:s21+$0xFFFFFE30] =	vst v0  }
0x50: {  	s22 =	simm.s32 $0x0;
	[tilespmem:s21+$0xFFFFFE20] =	vst v0  }
.LBB2_2:
0x51: {  	s22 =	sadd.s32 $0x8, s22;
	[tilespmem:s21+$0xFFFFFE10] =	vst v0;
	s21 =	sadd.s32 $0x400, s21  }
0x52: {  	[tilespmem:s21+$0xFFFFFE00] =	vst v0;
	p0 =	slt.u32 s22, $0x1F8  }
0x53: {  	[tilespmem:s21+$0x1F0] =	vst v0  }
0x54: {  	[tilespmem:s21+$0x1E0] =	vst v0  }
0x55: {  	[tilespmem:s21+$0x1D0] =	vst v0  }
0x56: {  	[tilespmem:s21+$0x1C0] =	vst v0  }
0x57: {  	[tilespmem:s21+$0x1B0] =	vst v0  }
0x58: {  	[tilespmem:s21+$0x1A0] =	vst v0  }
0x59: {  	[tilespmem:s21+$0x190] =	vst v0  }
0x5a: {  	[tilespmem:s21+$0x180] =	vst v0  }
0x5b: {  	[tilespmem:s21+$0x170] =	vst v0  }
0x5c: {  	[tilespmem:s21+$0x160] =	vst v0  }
0x5d: {  	[tilespmem:s21+$0x150] =	vst v0  }
0x5e: {  	[tilespmem:s21+$0x140] =	vst v0  }
0x5f: {  	[tilespmem:s21+$0x130] =	vst v0  }
0x60: {  	[tilespmem:s21+$0x120] =	vst v0  }
0x61: {  	[tilespmem:s21+$0x110] =	vst v0  }
0x62: {  	[tilespmem:s21+$0x100] =	vst v0  }
0x63: {  	[tilespmem:s21+$0xF0] =	vst v0  }
0x64: {  	[tilespmem:s21+$0xE0] =	vst v0  }
0x65: {  	[tilespmem:s21+$0xD0] =	vst v0  }
0x66: {  	[tilespmem:s21+$0xC0] =	vst v0  }
0x67: {  	[tilespmem:s21+$0xB0] =	vst v0  }
0x68: {  	[tilespmem:s21+$0xA0] =	vst v0  }
0x69: {  	[tilespmem:s21+$0x90] =	vst v0  }
0x6a: {  	[tilespmem:s21+$0x80] =	vst v0  }
0x6b: {  	[tilespmem:s21+$0x70] =	vst v0  }
0x6c: {  	[tilespmem:s21+$0x60] =	vst v0  }
0x6d: {  	[tilespmem:s21+$0x50] =	vst v0  }
0x6e: {  	[tilespmem:s21+$0x40] =	vst v0  }
0x6f: {  	[tilespmem:s21+$0x30] =	vst v0  }
0x70: {  	[tilespmem:s21+$0x20] =	vst v0  }
0x71: {  	[tilespmem:s21+$0x10] =	vst v0  }
0x72: {  	[tilespmem:s21+$0x0] =	vst v0  }
0x73: {  	[tilespmem:s21+$0xFFFFFFF0] =	vst v0  }
0x74: {  	[tilespmem:s21+$0xFFFFFFE0] =	vst v0  }
0x75: {  	[tilespmem:s21+$0xFFFFFFD0] =	vst v0  }
0x76: {  	[tilespmem:s21+$0xFFFFFFC0] =	vst v0  }
0x77: {  	[tilespmem:s21+$0xFFFFFFB0] =	vst v0  }
0x78: {  	[tilespmem:s21+$0xFFFFFFA0] =	vst v0  }
0x79: {  	[tilespmem:s21+$0xFFFFFF90] =	vst v0  }
0x7a: {  	[tilespmem:s21+$0xFFFFFF80] =	vst v0  }
0x7b: {  	[tilespmem:s21+$0xFFFFFF70] =	vst v0  }
0x7c: {  	[tilespmem:s21+$0xFFFFFF60] =	vst v0  }
0x7d: {  	[tilespmem:s21+$0xFFFFFF50] =	vst v0  }
0x7e: {  	[tilespmem:s21+$0xFFFFFF40] =	vst v0  }
0x7f: {  	[tilespmem:s21+$0xFFFFFF30] =	vst v0  }
0x80: {  	[tilespmem:s21+$0xFFFFFF20] =	vst v0  }
0x81: {  	[tilespmem:s21+$0xFFFFFF10] =	vst v0  }
0x82: {  	[tilespmem:s21+$0xFFFFFF00] =	vst v0  }
0x83: {  	[tilespmem:s21+$0xFFFFFEF0] =	vst v0  }
0x84: {  	[tilespmem:s21+$0xFFFFFEE0] =	vst v0  }
0x85: {  	[tilespmem:s21+$0xFFFFFED0] =	vst v0  }
0x86: {  	[tilespmem:s21+$0xFFFFFEC0] =	vst v0  }
0x87: {  	[tilespmem:s21+$0xFFFFFEB0] =	vst v0  }
0x88: {  	[tilespmem:s21+$0xFFFFFEA0] =	vst v0  }
0x89: {  	[tilespmem:s21+$0xFFFFFE90] =	vst v0  }
0x8a: {  	[tilespmem:s21+$0xFFFFFE80] =	vst v0  }
0x8b: {  	[tilespmem:s21+$0xFFFFFE70] =	vst v0  }
.Ltmp0:
0x8c: {  	[tilespmem:s21+$0xFFFFFE60] =	vst v0;
	(pc) =	sbr.rel @p0 .LBB2_2-.Ltmp0, $4  }
0x8d: {  	[tilespmem:s21+$0xFFFFFE50] =	vst v0  }
0x8e: {  	[tilespmem:s21+$0xFFFFFE40] =	vst v0  }
0x8f: {  	[tilespmem:s21+$0xFFFFFE30] =	vst v0  }
0x90: {  	[tilespmem:s21+$0xFFFFFE20] =	vst v0  }
0x91: {  	[tilespmem:s21+$0xFFFFFE10] =	vst v0;
	s21 =	simm.s32 $0x0  }
0x92: {  	[tilespmem:s21], [sflag:$0x1] =	stream.linear.gather [hbm4b:s6+s21], $0x2000, $0x38;
	[tilespmem:$0x18000] =	vst v63  }
0x93: {  	s22 =	simm.s32 $0x0  }
0x94: {  	[tilespmem:s12], [sflag:$0x2] =	stream.linear.gather [hbm4b:s7+s21], $0x2000, $0x38;
	[tilespmem:$0x18000] =	vst v63  }
.LBB2_4:
0x95: {  	_ =	swait.ge [sflag:s5], $0x2000  }
0x96: {  	[sflag:s5] =	ssyncset.done $0x0  }
0x97: {  	s23 =	sshll.u32 s22, $0xE;
	[sflag:s5] =	ssyncadd.s32 $0xFFFFE000  }
0x98: {  	s23 =	sadd.s32 s8, s23;
	_ =	swait.ge [sflag:s13], $0x2000  }
0x99: {  	s23 =	sshrl.u32 s23, $0x3;
	[sflag:s13] =	ssyncset.done $0x0  }
0x9a: {  	s24 =	sadd.s32 s1, s23;
	[sflag:s13] =	ssyncadd.s32 $0xFFFFE000  }
0x9b: {  	[tilespmem:s14], [sflag:$0x3] =	stream.linear.gather [hbm4b:s24+s21], $0x2000, $0x38;
	[tilespmem:$0x18000] =	vst v63  }
0x9c: {  	s28 =	simm.s32 $0x0;
	s23 =	sadd.s32 s3, s23  }
0x9d: {  	[tilespmem:s15], [sflag:$0x4] =	stream.linear.gather [hbm4b:s23+s21], $0x2000, $0x38;
	[tilespmem:$0x18000] =	vst v63  }
0x9e: {  	s29 =	simm.s32 $0x0;
	s25 =	sand.u32 $0xC00, s21;
	s23 =	sand.u32 $0x1000, s28  }
0x9f: {  	s24 =	sand.u32 $0x380, s29;
	s23 =	sor.u32 s25, s23  }
0xa0: {  	s23 =	sor.u32 s24, s23  }
0xa1: {  	v3 =	vld [tilespmem:s23+$0x2030]  }
0xa2: {  	v5 =	vld [tilespmem:s23+$0x2060]  }
0xa3: {  	v6 =	vld [tilespmem:s23+$0x2070]  }
0xa4: {  	v7 =	vld [tilespmem:s23+$0x2020]  }
0xa5: {  	v8 =	vld [tilespmem:s23+$0x2010]  }
0xa6: {  	v9 =	vld [tilespmem:s23+$0x2040]  }
0xa7: {  	v10 =	vld [tilespmem:s23+$0x2050];
	_ =	sdelay $0x1  }
0xa8: {  	v4 =	vld [tilespmem:s23+$0x60]  }
0xa9: {  	v12 =	vld [tilespmem:s23+$0x20];
	v5 =	vxor.u32 $0x1, v5;
	v13 =	vxor.u32 $0x1, v6;
	v15 =	vxor.u32 $0x1, v7  }
0xaa: {  	v11 =	vld [tilespmem:s23+$0x30];
	v3 =	vxor.u32 $0x1, v3;
	v8 =	vxor.u32 $0x1, v8;
	v9 =	vxor.u32 $0x1, v9  }
0xab: {  	v10 =	vxor.u32 $0x1, v10;
	v14 =	vshll.u32 v5, $0x1F;
	v7 =	vshll.u32 v15, $0x1F  }
0xac: {  	v2 =	vld [tilespmem:s23+$0x50];
	v5 =	vshll.u32 v5, $0x7;
	v16 =	vshll.u32 v9, $0x7;
	v19 =	vshll.u32 v13, $0x1F  }
0xad: {  	v6 =	vld [tilespmem:s23+$0x40];
	v15 =	vshll.u32 v15, $0x7;
	v26 =	vshll.u32 v8, $0x1F;
	v8 =	vshll.u32 v8, $0x7  }
0xae: {  	v4 =	vxor.u32 v4, v14;
	v14 =	vshll.u32 v3, $0x1F;
	v7 =	vxor.u32 v12, v7  }
0xaf: {  	v12 =	vshll.u32 v9, $0x1F;
	v3 =	vshll.u32 v3, $0x7;
	v11 =	vxor.u32 v11, v14  }
0xb0: {  	v4 =	vsub.f32 $1.000000000e+00, v4;
	v14 =	vshll.u32 v10, $0x1F;
	v9 =	vsub.f32 $1.000000000e+00, v7  }
0xb1: {  	v10 =	vshll.u32 v10, $0x7;
	v2 =	vxor.u32 v2, v14;
	v11 =	vsub.f32 $1.000000000e+00, v11  }
0xb2: {  	v14 =	vld [tilespmem:s23+$0x70];
	v6 =	vxor.u32 v6, v12;
	v12 =	vsub.f32 $1.000000000e+00, v2;
	v2 =	vmax.f32 v4, $0.0e+00  }
0xb3: {  	v18 =	vshra.s32 v4, $0x1F;
	v17 =	vsub.f32 $1.000000000e+00, v6;
	v6 =	vshra.s32 v11, $0x1F  }
0xb4: {  	v57 =	vmax.f32 v9, $0.0e+00;
	v18 =	vor.u32 $0x80000000, v18;
	v6 =	vor.u32 $0x80000000, v6  }
0xb5: {  	v7 =	vshra.s32 v12, $0x1F;
	v4 =	vxor.u32 v4, v18;
	v6 =	vxor.u32 v11, v6  }
0xb6: {  	v37 =	vmax.f32 v12, $0.0e+00;
	v7 =	vor.u32 $0x80000000, v7;
	v20 =	vshrl.u32 v6, $0x1  }
0xb7: {  	v7 =	vxor.u32 v12, v7;
	v14 =	vxor.u32 v14, v19;
	v19 =	vshrl.u32 v4, $0x1  }
0xb8: {  	v4 =	vshrl.u32 v4, $0x12;
	v6 =	vshrl.u32 v6, $0x12;
	v20 =	vshrl.u32 v20, $0x18  }
0xb9: {  	v18 =	vshrl.u32 v7, $0x1;
	v19 =	vshrl.u32 v19, $0x18;
	v7 =	vshrl.u32 v7, $0x12  }
0xba: {  	v4 =	vand.u32 $0x7F, v4;
	v6 =	vand.u32 $0x7F, v6;
	v18 =	vshrl.u32 v18, $0x18  }
0xbb: {  	v5 =	vor.u32 v19, v5;
	v10 =	vor.u32 v18, v10;
	v18 =	vshra.s32 v17, $0x1F  }
0xbc: {  	v19 =	vshll.u32 v5, $0x7;
	v5 =	vsub.f32 $1.000000000e+00, v14;
	v14 =	vor.u32 v20, v3  }
0xbd: {  	v3 =	vand.u32 $0x7F, v7;
	v10 =	vshll.u32 v10, $0x7;
	v21 =	vor.u32 $0x80000000, v18  }
0xbe: {  	v4 =	vor.u32 v4, v19;
	v19 =	vshra.s32 v9, $0x1F;
	v14 =	vshll.u32 v14, $0x7  }
0xbf: {  	v20 =	vor.u32 v3, v10;
	v3 =	vor.u32 $0x8000, v4;
	v7 =	vshra.s32 v5, $0x1F;
	v10 =	vld [tilespmem:s23+$0x2000]  }
0xc0: {  	v21 =	vxor.u32 v17, v21;
	v25 =	vor.u32 v6, v14;
	v14 =	vor.u32 $0x80000000, v19  }
0xc1: {  	v23 =	vld [tilespmem:s23+$0x0];
	v18 =	vor.u32 $0x8000, v20;
	v7 =	vor.u32 $0x80000000, v7;
	v22 =	vshrl.u32 v21, $0x1  }
0xc2: {  	v24 =	vld [tilespmem:s23+$0x10];
	v19 =	vshrl.u32 v21, $0x12;
	v14 =	vxor.u32 v9, v14;
	v35 =	vor.u32 $0x8000, v25  }
0xc3: {  	v7 =	vxor.u32 v5, v7;
	v21 =	vshrl.u32 v22, $0x18;
	v19 =	vand.u32 $0x7F, v19  }
0xc4: {  	v6 =	vshrl.u32 v7, $0x12;
	v7 =	vshrl.u32 v7, $0x1;
	v10 =	vxor.u32 $0x1, v10  }
0xc5: {  	v16 =	vor.u32 v21, v16;
	v21 =	vshrl.u32 v14, $0x1;
	v22 =	vshll.u32 v10, $0x1F  }
0xc6: {  	v14 =	vshrl.u32 v14, $0x12;
	v16 =	vshll.u32 v16, $0x7;
	v22 =	vxor.u32 v23, v22  }
0xc7: {  	s30 =	simm.s32 $0x80;
	s23 =	simm.s32 $0x400;
	v10 =	vshll.u32 v10, $0x7;
	v23 =	vxor.u32 v24, v26;
	v22 =	vsub.f32 $1.000000000e+00, v22  }
0xc8: {  	s31 =	simm.s32 $0x20;
	s24 =	sand.u32 $0x1000, s30;
	s26 =	sand.u32 $0xC00, s23;
	v24 =	vmax.f32 v17, $0.0e+00;
	v26 =	vor.u32 v19, v16;
	v16 =	vsub.f32 $1.000000000e+00, v23  }
0xc9: {  	s25 =	sand.u32 $0x380, s31;
	s24 =	sor.u32 s26, s24;
	v17 =	vshrl.u32 v21, $0x18;
	v21 =	vmax.f32 v11, $0.0e+00;
	v19 =	vshra.s32 v22, $0x1F  }
0xca: {  	s24 =	sor.u32 s25, s24;
	v23 =	vor.u32 $0x8000, v26;
	v11 =	vshra.s32 v16, $0x1F;
	v19 =	vor.u32 $0x80000000, v19  }
0xcb: {  	v30 =	vld [tilespmem:s24+$0x2030];
	v15 =	vor.u32 v17, v15;
	v11 =	vor.u32 $0x80000000, v11;
	v19 =	vxor.u32 v22, v19  }
0xcc: {  	v32 =	vld [tilespmem:s24+$0x60];
	v15 =	vshll.u32 v15, $0x7;
	v11 =	vxor.u32 v16, v11;
	v29 =	vshrl.u32 v19, $0x1  }
0xcd: {  	v28 =	vmax.f32 v22, $0.0e+00;
	v22 =	vld [tilespmem:s24+$0x30];
	v31 =	vshrl.u32 v11, $0x1;
	v29 =	vshrl.u32 v29, $0x18  }
0xce: {  	v19 =	vshrl.u32 v19, $0x12;
	v31 =	vshrl.u32 v31, $0x18;
	v10 =	vor.u32 v29, v10;
	v29 =	vld [tilespmem:s24+$0x2060]  }
0xcf: {  	v19 =	vand.u32 $0x7F, v19;
	v8 =	vor.u32 v31, v8;
	v31 =	vld [tilespmem:s24+$0x2070];
	v10 =	vshll.u32 v10, $0x7  }
0xd0: {  	v30 =	vxor.u32 $0x1, v30;
	v11 =	vshrl.u32 v11, $0x12;
	v33 =	vor.u32 v19, v10;
	v10 =	vld [tilespmem:s24+$0x2020]  }
0xd1: {  	v34 =	vmax.f32 v16, $0.0e+00;
	v16 =	vld [tilespmem:s24+$0x2010];
	v11 =	vand.u32 $0x7F, v11;
	v8 =	vshll.u32 v8, $0x7  }
0xd2: {  	v19 =	vld [tilespmem:s24+$0x2040];
	v38 =	vor.u32 v11, v8;
	v8 =	vand.u32 $0x7F, v14;
	v36 =	vor.u32 $0x8000, v33  }
0xd3: {  	v11 =	vld [tilespmem:s24+$0x2050];
	v40 =	vor.u32 v8, v15;
	v14 =	vxor.u32 $0x1, v29;
	v29 =	vor.u32 $0x8000, v38  }
0xd4: {  	v39 =	vld [tilespmem:s24+$0x20];
	v8 =	vxor.u32 $0x1, v31;
	v31 =	vor.u32 $0x8000, v40;
	v12 =	vshll.u32 v14, $0x1F  }
0xd5: {  	v15 =	vld [tilespmem:s24+$0x40];
	v41 =	vshll.u32 v14, $0x7;
	v60 =	vshll.u32 v8, $0x1F;
	v17 =	vxor.u32 $0x1, v10  }
0xd6: {  	v27 =	vld [tilespmem:s24+$0x50];
	v10 =	vxor.u32 v32, v12;
	v12 =	vxor.u32 $0x1, v16;
	v16 =	vshll.u32 v30, $0x1F  }
0xd7: {  	v19 =	vxor.u32 $0x1, v19;
	v30 =	vshll.u32 v30, $0x7;
	v9 =	vshll.u32 v17, $0x1F  }
0xd8: {  	v14 =	vxor.u32 v22, v16;
	v22 =	vxor.u32 $0x1, v11;
	v42 =	vsub.f32 $1.000000000e+00, v10  }
0xd9: {  	v10 =	vshll.u32 v19, $0x1F;
	v16 =	vshll.u32 v19, $0x7;
	v19 =	vshll.u32 v13, $0x7  }
0xda: {  	v11 =	vshll.u32 v22, $0x1F;
	v9 =	vxor.u32 v39, v9;
	v15 =	vxor.u32 v15, v10  }
0xdb: {  	v14 =	vsub.f32 $1.000000000e+00, v14;
	v22 =	vshll.u32 v22, $0x7;
	v10 =	vxor.u32 v27, v11  }
0xdc: {  	[tilespmem:v25+s16+$0x0] =	vst.idx.add.f32.msk $0xffff, v1;
	v9 =	vsub.f32 $1.000000000e+00, v9;
	v15 =	vsub.f32 $1.000000000e+00, v15;
	v44 =	vshra.s32 v42, $0x1F  }
0xdd: {  	v27 =	vld [tilespmem:s24+$0x70];
	v10 =	vsub.f32 $1.000000000e+00, v10;
	v58 =	vshra.s32 v14, $0x1F;
	v59 =	vor.u32 $0x80000000, v44  }
0xde: {  	[tilespmem:v33+s16+$0x0] =	vst.idx.add.f32.msk $0xffff, v1;
	v11 =	vmax.f32 v42, $0.0e+00;
	v13 =	vor.u32 $0x80000000, v58;
	v25 =	vxor.u32 v42, v59  }
0xdf: {  	[tilespmem:v36+s16+$0x0] =	vst.idx.add.f32.msk $0xffff, v28;
	v28 =	vshra.s32 v15, $0x1F;
	v43 =	vshra.s32 v10, $0x1F;
	v13 =	vxor.u32 v14, v13  }
0xe0: {  	v62 =	vshrl.u32 v25, $0x1;
	v25 =	vshrl.u32 v25, $0x12;
	v28 =	vor.u32 $0x80000000, v28  }
0xe1: {  	[tilespmem:v35+s16+$0x0] =	vst.idx.add.f32.msk $0xffff, v21;
	v21 =	vor.u32 $0x80000000, v43;
	v61 =	vshrl.u32 v13, $0x1;
	v13 =	vshrl.u32 v13, $0x12  }
0xe2: {  	[tilespmem:v40+s16+$0x0] =	vst.idx.add.f32.msk $0xffff, v1;
	v25 =	vand.u32 $0x7F, v25;
	v27 =	vxor.u32 v27, v60;
	v21 =	vxor.u32 v10, v21  }
0xe3: {  	[tilespmem:v31+s16+$0x0] =	vst.idx.add.f32.msk $0xffff, v57;
	v35 =	vshrl.u32 v61, $0x18;
	v63 =	vand.u32 $0x7F, v13;
	v31 =	vshrl.u32 v21, $0x1  }
0xe4: {  	[tilespmem:v20+s16+$0x0] =	vst.idx.add.f32.msk $0xffff, v1;
	v21 =	vshrl.u32 v21, $0x12;
	v20 =	vshrl.u32 v31, $0x18;
	v31 =	vshrl.u32 v62, $0x18  }
0xe5: {  	[tilespmem:v18+s16+$0x0] =	vst.idx.add.f32.msk $0xffff, v37;
	v18 =	vand.u32 $0x7F, v21;
	v20 =	vor.u32 v20, v22;
	v22 =	vor.u32 v31, v41  }
0xe6: {  	[tilespmem:v26+s16+$0x0] =	vst.idx.add.f32.msk $0xffff, v1;
	v31 =	vshll.u32 v20, $0x7;
	v22 =	vshll.u32 v22, $0x7;
	v20 =	vsub.f32 $1.000000000e+00, v27  }
0xe7: {  	[tilespmem:v23+s16+$0x0] =	vst.idx.add.f32.msk $0xffff, v24;
	v27 =	vor.u32 v35, v30;
	v30 =	vshra.s32 v9, $0x1F;
	v26 =	vor.u32 v18, v31  }
0xe8: {  	[tilespmem:v38+s16+$0x0] =	vst.idx.add.f32.msk $0xffff, v1;
	v21 =	vor.u32 v25, v22;
	v22 =	vxor.u32 v15, v28;
	v23 =	vshra.s32 v20, $0x1F  }
0xe9: {  	[tilespmem:v29+s16+$0x0] =	vst.idx.add.f32.msk $0xffff, v34;
	v24 =	vshll.u32 v27, $0x7;
	v13 =	vor.u32 $0x8000, v26;
	v23 =	vor.u32 $0x80000000, v23  }
0xea: {  	v29 =	vld [tilespmem:s24+$0x10];
	v18 =	vor.u32 $0x8000, v21;
	v25 =	vshrl.u32 v22, $0x1;
	v27 =	vxor.u32 v20, v23  }
0xeb: {  	s25 =	simm.s32 $0x8;
	v28 =	vld [tilespmem:s24+$0x2000];
	v23 =	vor.u32 v63, v24;
	v24 =	vshrl.u32 v27, $0x12;
	v27 =	vshrl.u32 v27, $0x1  }
.LBB2_5:
0xec: {  	s25 =	sadd.s32 $0x8, s25;
	v30 =	vor.u32 $0x80000000, v30;
	v22 =	vshrl.u32 v22, $0x12;
	v25 =	vshrl.u32 v25, $0x18;
	s23 =	sadd.s32 $0x400, s23  }
0xed: {  	v17 =	vshll.u32 v17, $0x7;
	s26 =	sshll.u32 s25, $0x4;
	s28 =	sshll.u32 s25, $0x2;
	p0 =	slt.u32 s25, $0x1F8;
	v31 =	vld [tilespmem:s24+$0x0];
	v30 =	vxor.u32 v9, v30;
	v16 =	vor.u32 v25, v16  }
0xee: {  	v25 =	vand.u32 $0x7F, v22;
	s24 =	sand.u32 $0x1000, s26;
	s26 =	sand.u32 $0xC00, s23;
	v32 =	vshrl.u32 v30, $0x1;
	v16 =	vshll.u32 v16, $0x7  }
0xef: {  	v33 =	vshll.u32 v12, $0x1F;
	v22 =	vmax.f32 v15, $0.0e+00;
	s24 =	sor.u32 s26, s24;
	s26 =	sand.u32 $0x380, s28;
	v25 =	vor.u32 v25, v16;
	[tilespmem:v4+s16+$0x0] =	vst.idx.add.f32.msk $0xffff, v1;
	v4 =	vmovc v21  }
0xf0: {  	v15 =	vxor.u32 $0x1, v28;
	s24 =	sor.u32 s26, s24;
	v16 =	vxor.u32 v29, v33;
	[tilespmem:v23+s16+$0x0] =	vst.idx.add.f32.msk $0xffff, v1;
	v21 =	vor.u32 $0x8000, v25  }
0xf1: {  	v32 =	vshrl.u32 v32, $0x18;
	v29 =	vshll.u32 v15, $0x1F;
	v28 =	vld [tilespmem:s24+$0x50];
	v16 =	vsub.f32 $1.000000000e+00, v16  }
0xf2: {  	v34 =	vshrl.u32 v7, $0x18;
	v7 =	vmovc v27;
	v33 =	vld [tilespmem:s24+$0x30];
	v29 =	vxor.u32 v31, v29;
	v31 =	vmax.f32 v5, $0.0e+00;
	v5 =	vmovc v20  }
0xf3: {  	v14 =	vmax.f32 v14, $0.0e+00;
	v19 =	vor.u32 v34, v19;
	v20 =	vsub.f32 $1.000000000e+00, v29;
	[tilespmem:v26+s16+$0x0] =	vst.idx.add.f32.msk $0xffff, v1  }
0xf4: {  	v19 =	vshll.u32 v19, $0x7;
	v27 =	vshra.s32 v16, $0x1F;
	v29 =	vand.u32 $0x7F, v6;
	v6 =	vmovc v24;
	v26 =	vld [tilespmem:s24+$0x2030]  }
0xf5: {  	v19 =	vor.u32 v29, v19;
	v24 =	vld [tilespmem:s24+$0x20];
	v34 =	vmax.f32 v20, $0.0e+00;
	v35 =	vshra.s32 v20, $0x1F  }
0xf6: {  	v27 =	vor.u32 $0x80000000, v27;
	v36 =	vor.u32 $0x8000, v19;
	v29 =	vld [tilespmem:s24+$0x60];
	v35 =	vor.u32 $0x80000000, v35  }
0xf7: {  	v12 =	vshll.u32 v12, $0x7;
	v27 =	vxor.u32 v16, v27;
	v37 =	vld [tilespmem:s24+$0x2060];
	v20 =	vxor.u32 v20, v35  }
0xf8: {  	v38 =	vshrl.u32 v27, $0x1;
	v35 =	vshrl.u32 v20, $0x12;
	v20 =	vshrl.u32 v20, $0x1;
	[tilespmem:v3+s16+$0x0] =	vst.idx.add.f32.msk $0xffff, v2;
	v2 =	vmovc v11;
	v3 =	vmovc v18  }
0xf9: {  	v15 =	vshll.u32 v15, $0x7;
	v11 =	vld [tilespmem:s24+$0x2070];
	v18 =	vshrl.u32 v20, $0x18;
	v20 =	vshrl.u32 v38, $0x18  }
0xfa: {  	v15 =	vor.u32 v18, v15;
	v18 =	vshrl.u32 v27, $0x12;
	v12 =	vor.u32 v20, v12;
	[tilespmem:v19+s16+$0x0] =	vst.idx.add.f32.msk $0xffff, v1  }
0xfb: {  	v19 =	vand.u32 $0x7F, v35;
	v20 =	vld [tilespmem:s24+$0x70];
	v15 =	vshll.u32 v15, $0x7;
	v12 =	vshll.u32 v12, $0x7  }
0xfc: {  	v27 =	vmax.f32 v16, $0.0e+00;
	v16 =	vor.u32 $0x8000, v23;
	v15 =	vor.u32 v19, v15;
	[tilespmem:v36+s16+$0x0] =	vst.idx.add.f32.msk $0xffff, v31  }
0xfd: {  	v30 =	vshrl.u32 v30, $0x12;
	v17 =	vor.u32 v32, v17;
	v19 =	vld [tilespmem:s24+$0x2020];
	v23 =	vor.u32 $0x8000, v15  }
0xfe: {  	v32 =	vmax.f32 v10, $0.0e+00;
	v17 =	vshll.u32 v17, $0x7;
	v18 =	vand.u32 $0x7F, v18;
	v31 =	vld [tilespmem:s24+$0x2010]  }
0xff: {  	v18 =	vor.u32 v18, v12;
	v12 =	vand.u32 $0x7F, v30;
	v10 =	vld [tilespmem:s24+$0x2040]  }
0x100: {  	v35 =	vxor.u32 $0x1, v37;
	v36 =	vor.u32 $0x8000, v18;
	v37 =	vor.u32 v12, v17;
	v30 =	vld [tilespmem:s24+$0x2050]  }
0x101: {  	v12 =	vshll.u32 v35, $0x1F;
	v39 =	vxor.u32 $0x1, v11;
	v11 =	vor.u32 $0x8000, v37;
	v38 =	vld [tilespmem:s24+$0x40]  }
0x102: {  	v9 =	vmax.f32 v9, $0.0e+00;
	v17 =	vxor.u32 $0x1, v19;
	v19 =	vxor.u32 v29, v12;
	[tilespmem:v16+s16+$0x0] =	vst.idx.add.f32.msk $0xffff, v14  }
0x103: {  	v26 =	vxor.u32 $0x1, v26;
	v12 =	vxor.u32 $0x1, v31;
	v14 =	vshll.u32 v17, $0x1F  }
0x104: {  	v16 =	vshll.u32 v26, $0x1F;
	v29 =	vshll.u32 v35, $0x7;
	v10 =	vxor.u32 $0x1, v10;
	[tilespmem:v18+s16+$0x0] =	vst.idx.add.f32.msk $0xffff, v1  }
0x105: {  	v31 =	vsub.f32 $1.000000000e+00, v19;
	v18 =	vxor.u32 v33, v16;
	v30 =	vxor.u32 $0x1, v30;
	[tilespmem:v37+s16+$0x0] =	vst.idx.add.f32.msk $0xffff, v1  }
0x106: {  	v19 =	vxor.u32 v24, v14;
	v14 =	vshll.u32 v10, $0x1F;
	v24 =	vshll.u32 v30, $0x1F;
	[tilespmem:v11+s16+$0x0] =	vst.idx.add.f32.msk $0xffff, v9  }
0x107: {  	v16 =	vshll.u32 v10, $0x7;
	v11 =	vxor.u32 v38, v14;
	v9 =	vxor.u32 v28, v24;
	[tilespmem:v15+s16+$0x0] =	vst.idx.add.f32.msk $0xffff, v1  }
0x108: {  	v14 =	vsub.f32 $1.000000000e+00, v18;
	v10 =	vsub.f32 $1.000000000e+00, v9;
	[tilespmem:v23+s16+$0x0] =	vst.idx.add.f32.msk $0xffff, v34  }
0x109: {  	v15 =	vsub.f32 $1.000000000e+00, v11;
	v11 =	vmax.f32 v31, $0.0e+00;
	v9 =	vsub.f32 $1.000000000e+00, v19;
	[tilespmem:v13+s16+$0x0] =	vst.idx.add.f32.msk $0xffff, v32  }
0x10a: {  	v19 =	vshll.u32 v8, $0x7;
	v8 =	vmovc v39;
	v13 =	vshra.s32 v14, $0x1F;
	v18 =	vshra.s32 v10, $0x1F;
	[tilespmem:v25+s16+$0x0] =	vst.idx.add.f32.msk $0xffff, v1  }
0x10b: {  	v23 =	vshll.u32 v30, $0x7;
	v13 =	vor.u32 $0x80000000, v13;
	v18 =	vor.u32 $0x80000000, v18;
	[tilespmem:v21+s16+$0x0] =	vst.idx.add.f32.msk $0xffff, v22  }
0x10c: {  	v13 =	vxor.u32 v14, v13;
	v21 =	vshra.s32 v31, $0x1F;
	v22 =	vshll.u32 v8, $0x1F;
	[tilespmem:v36+s16+$0x0] =	vst.idx.add.f32.msk $0xffff, v27  }
0x10d: {  	v24 =	vshrl.u32 v13, $0x1;
	v18 =	vxor.u32 v10, v18;
	v21 =	vor.u32 $0x80000000, v21  }
0x10e: {  	v20 =	vxor.u32 v20, v22;
	v24 =	vshrl.u32 v24, $0x18;
	v21 =	vxor.u32 v31, v21  }
0x10f: {  	v22 =	vshll.u32 v26, $0x7;
	v25 =	vshrl.u32 v18, $0x1;
	v26 =	vshrl.u32 v21, $0x1  }
0x110: {  	v25 =	vshrl.u32 v25, $0x18;
	v21 =	vshrl.u32 v21, $0x12;
	v26 =	vshrl.u32 v26, $0x18  }
0x111: {  	v18 =	vshrl.u32 v18, $0x12;
	v23 =	vor.u32 v25, v23;
	v25 =	vor.u32 v26, v29  }
0x112: {  	v13 =	vshrl.u32 v13, $0x12;
	v21 =	vand.u32 $0x7F, v21;
	v23 =	vshll.u32 v23, $0x7  }
0x113: {  	v20 =	vsub.f32 $1.000000000e+00, v20;
	v26 =	vshra.s32 v15, $0x1F;
	v25 =	vshll.u32 v25, $0x7  }
0x114: {  	v24 =	vor.u32 v24, v22;
	v18 =	vand.u32 $0x7F, v18;
	v22 =	vor.u32 $0x80000000, v26  }
.Ltmp1:
0x115: {  	v27 =	vand.u32 $0x7F, v13;
	v26 =	vor.u32 v18, v23;
	v21 =	vor.u32 v21, v25;
	(pc) =	sbr.rel @p0 .LBB2_5-.Ltmp1, $4  }
0x116: {  	v23 =	vshra.s32 v20, $0x1F;
	v13 =	vor.u32 $0x8000, v26;
	v18 =	vor.u32 $0x8000, v21  }
0x117: {  	v30 =	vshra.s32 v9, $0x1F;
	v22 =	vxor.u32 v15, v22;
	v23 =	vor.u32 $0x80000000, v23  }
0x118: {  	v24 =	vshll.u32 v24, $0x7;
	v25 =	vshrl.u32 v22, $0x1;
	v31 =	vxor.u32 v20, v23;
	v28 =	vld [tilespmem:s24+$0x2000]  }
0x119: {  	v23 =	vor.u32 v27, v24;
	v24 =	vshrl.u32 v31, $0x12;
	v27 =	vshrl.u32 v31, $0x1;
	v29 =	vld [tilespmem:s24+$0x10]  }
0x11a: {  	v31 =	vld [tilespmem:s24+$0x0]  }
0x11b: {  	v30 =	vor.u32 $0x80000000, v30;
	v17 =	vshll.u32 v17, $0x7;
	v32 =	vshll.u32 v12, $0x1F  }
0x11c: {  	v7 =	vshrl.u32 v7, $0x18;
	v6 =	vand.u32 $0x7F, v6;
	v12 =	vshll.u32 v12, $0x7  }
0x11d: {  	v30 =	vxor.u32 v9, v30;
	v7 =	vor.u32 v7, v19;
	v28 =	vxor.u32 $0x1, v28  }
0x11e: {  	v33 =	vshrl.u32 v30, $0x1;
	v29 =	vxor.u32 v29, v32;
	v50 =	vshll.u32 v28, $0x1F  }
0x11f: {  	v7 =	vshll.u32 v7, $0x7;
	v29 =	vsub.f32 $1.000000000e+00, v29;
	v31 =	vxor.u32 v31, v50  }
0x120: {  	v33 =	vshrl.u32 v33, $0x18;
	v6 =	vor.u32 v6, v7;
	v31 =	vsub.f32 $1.000000000e+00, v31  }
0x121: {  	v52 =	vor.u32 $0x8000, v6;
	v28 =	vshll.u32 v28, $0x7;
	v19 =	vshra.s32 v29, $0x1F  }
0x122: {  	v17 =	vor.u32 v33, v17;
	v51 =	vshra.s32 v31, $0x1F;
	v19 =	vor.u32 $0x80000000, v19  }
0x123: {  	v17 =	vshll.u32 v17, $0x7;
	v7 =	vor.u32 $0x80000000, v51;
	v19 =	vxor.u32 v29, v19  }
0x124: {  	[tilespmem:v4+s16+$0x0] =	vst.idx.add.f32.msk $0xffff, v1;
	v7 =	vxor.u32 v31, v7;
	v34 =	vshrl.u32 v19, $0x1;
	v4 =	vshrl.u32 v19, $0x12  }
0x125: {  	[tilespmem:v23+s16+$0x0] =	vst.idx.add.f32.msk $0xffff, v1;
	v19 =	vor.u32 $0x8000, v23;
	v23 =	vshrl.u32 v30, $0x12;
	v34 =	vshrl.u32 v34, $0x18  }
0x126: {  	v35 =	vshrl.u32 v7, $0x1;
	v4 =	vand.u32 $0x7F, v4;
	v12 =	vor.u32 v34, v12  }
0x127: {  	v7 =	vshrl.u32 v7, $0x12;
	v35 =	vshrl.u32 v35, $0x18;
	v12 =	vshll.u32 v12, $0x7  }
0x128: {  	[tilespmem:v3+s16+$0x0] =	vst.idx.add.f32.msk $0xffff, v2;
	v2 =	vor.u32 v35, v28;
	v4 =	vor.u32 v4, v12;
	v12 =	vand.u32 $0x7F, v23  }
0x129: {  	[tilespmem:v6+s16+$0x0] =	vst.idx.add.f32.msk $0xffff, v1;
	v6 =	vand.u32 $0x7F, v7;
	v2 =	vshll.u32 v2, $0x7;
	v3 =	vor.u32 v12, v17  }
0x12a: {  	[tilespmem:v26+s16+$0x0] =	vst.idx.add.f32.msk $0xffff, v1;
	v2 =	vor.u32 v6, v2  }
0x12b: {  	v5 =	vmax.f32 v5, $0.0e+00;
	[tilespmem:v21+s16+$0x0] =	vst.idx.add.f32.msk $0xffff, v1;
	v12 =	vshrl.u32 v25, $0x18;
	v7 =	vor.u32 $0x8000, v3  }
0x12c: {  	[tilespmem:v52+s16+$0x0] =	vst.idx.add.f32.msk $0xffff, v5;
	v5 =	vshrl.u32 v22, $0x12;
	v6 =	vor.u32 v12, v16  }
0x12d: {  	[tilespmem:v18+s16+$0x0] =	vst.idx.add.f32.msk $0xffff, v11;
	v5 =	vand.u32 $0x7F, v5;
	v6 =	vshll.u32 v6, $0x7  }
0x12e: {  	v5 =	vor.u32 v5, v6;
	[tilespmem:v3+s16+$0x0] =	vst.idx.add.f32.msk $0xffff, v1  }
0x12f: {  	v6 =	vmax.f32 v9, $0.0e+00;
	v3 =	vor.u32 $0x8000, v5;
	[tilespmem:v2+s16+$0x0] =	vst.idx.add.f32.msk $0xffff, v1  }
0x130: {  	v12 =	vor.u32 $0x8000, v2;
	v2 =	vshll.u32 v8, $0x7;
	[tilespmem:v7+s16+$0x0] =	vst.idx.add.f32.msk $0xffff, v6;
	v6 =	vshrl.u32 v27, $0x18  }
0x131: {  	[tilespmem:v4+s16+$0x0] =	vst.idx.add.f32.msk $0xffff, v1;
	v7 =	vmax.f32 v10, $0.0e+00;
	v2 =	vor.u32 v6, v2  }
0x132: {  	v4 =	vor.u32 $0x8000, v4;
	[tilespmem:v13+s16+$0x0] =	vst.idx.add.f32.msk $0xffff, v7;
	v6 =	vand.u32 $0x7F, v24;
	v2 =	vshll.u32 v2, $0x7  }
0x133: {  	v7 =	vmax.f32 v15, $0.0e+00;
	[tilespmem:v5+s16+$0x0] =	vst.idx.add.f32.msk $0xffff, v1;
	v2 =	vor.u32 v6, v2  }
0x134: {  	v14 =	vmax.f32 v14, $0.0e+00;
	[tilespmem:v3+s16+$0x0] =	vst.idx.add.f32.msk $0xffff, v7;
	v3 =	vor.u32 $0x8000, v2  }
0x135: {  	[tilespmem:v19+s16+$0x0] =	vst.idx.add.f32.msk $0xffff, v14;
	v9 =	vmax.f32 v31, $0.0e+00  }
0x136: {  	[tilespmem:v12+s16+$0x0] =	vst.idx.add.f32.msk $0xffff, v9;
	v5 =	vmax.f32 v29, $0.0e+00  }
0x137: {  	[tilespmem:v4+s16+$0x0] =	vst.idx.add.f32.msk $0xffff, v5  }
0x138: {  	v4 =	vmax.f32 v20, $0.0e+00;
	[tilespmem:v2+s16+$0x0] =	vst.idx.add.f32.msk $0xffff, v1  }
0x139: {  	[tilespmem:v3+s16+$0x0] =	vst.idx.add.f32.msk $0xffff, v4  }
0x13a: {  	s23 =	sshll.u32 s22, $0x1;
	_ =	swait.ge [sflag:s17], $0x2000  }
0x13b: {  	s23 =	smin.u32 s23, $0xD;
	[sflag:s17] =	ssyncset.done $0x0  }
0x13c: {  	s23 =	sshll.u32 s23, $0xD;
	[sflag:s17] =	ssyncadd.s32 $0xFFFFE000  }
0x13d: {  	s23 =	sadd.s32 s23, s9;
	_ =	swait.ge [sflag:s18], $0x2000  }
0x13e: {  	s23 =	sshrl.u32 s23, $0x3;
	[sflag:s18] =	ssyncset.done $0x0  }
0x13f: {  	s25 =	simm.s32 $0x0;
	s26 =	sadd.s32 s1, s23;
	[sflag:s18] =	ssyncadd.s32 $0xFFFFE000  }
0x140: {  	[tilespmem:s25], [sflag:$0x1] =	stream.linear.gather [hbm4b:s26+s25], $0x2000, $0x38;
	[tilespmem:$0x18000] =	vst v63  }
0x141: {  	s28 =	simm.s32 $0x0;
	s23 =	sadd.s32 s3, s23  }
0x142: {  	[tilespmem:s12], [sflag:$0x2] =	stream.linear.gather [hbm4b:s23+s25], $0x2000, $0x38;
	[tilespmem:$0x18000] =	vst v63  }
0x143: {  	s29 =	simm.s32 $0x0;
	s23 =	sand.u32 $0x1000, s28;
	s25 =	sand.u32 $0xC00, s25  }
0x144: {  	s24 =	sand.u32 $0x380, s29;
	s23 =	sor.u32 s25, s23  }
0x145: {  	s23 =	sor.u32 s24, s23  }
0x146: {  	v3 =	vld [tilespmem:s23+$0x6030]  }
0x147: {  	v5 =	vld [tilespmem:s23+$0x6060]  }
0x148: {  	v6 =	vld [tilespmem:s23+$0x6070]  }
0x149: {  	v7 =	vld [tilespmem:s23+$0x6020]  }
0x14a: {  	v8 =	vld [tilespmem:s23+$0x6010]  }
0x14b: {  	v9 =	vld [tilespmem:s23+$0x6040]  }
0x14c: {  	v10 =	vld [tilespmem:s23+$0x6050];
	_ =	sdelay $0x1  }
0x14d: {  	v4 =	vld [tilespmem:s23+$0x4060]  }
0x14e: {  	v12 =	vld [tilespmem:s23+$0x4020];
	v5 =	vxor.u32 $0x1, v5;
	v13 =	vxor.u32 $0x1, v6;
	v15 =	vxor.u32 $0x1, v7  }
0x14f: {  	v11 =	vld [tilespmem:s23+$0x4030];
	v3 =	vxor.u32 $0x1, v3;
	v8 =	vxor.u32 $0x1, v8;
	v9 =	vxor.u32 $0x1, v9  }
0x150: {  	v10 =	vxor.u32 $0x1, v10;
	v14 =	vshll.u32 v5, $0x1F;
	v7 =	vshll.u32 v15, $0x1F  }
0x151: {  	v2 =	vld [tilespmem:s23+$0x4050];
	v5 =	vshll.u32 v5, $0x7;
	v16 =	vshll.u32 v9, $0x7;
	v19 =	vshll.u32 v13, $0x1F  }
0x152: {  	v6 =	vld [tilespmem:s23+$0x4040];
	v15 =	vshll.u32 v15, $0x7;
	v26 =	vshll.u32 v8, $0x1F;
	v8 =	vshll.u32 v8, $0x7  }
0x153: {  	v4 =	vxor.u32 v4, v14;
	v14 =	vshll.u32 v3, $0x1F;
	v7 =	vxor.u32 v12, v7  }
0x154: {  	v12 =	vshll.u32 v9, $0x1F;
	v3 =	vshll.u32 v3, $0x7;
	v11 =	vxor.u32 v11, v14  }
0x155: {  	v4 =	vsub.f32 $1.000000000e+00, v4;
	v14 =	vshll.u32 v10, $0x1F;
	v9 =	vsub.f32 $1.000000000e+00, v7  }
0x156: {  	v10 =	vshll.u32 v10, $0x7;
	v2 =	vxor.u32 v2, v14;
	v11 =	vsub.f32 $1.000000000e+00, v11  }
0x157: {  	v14 =	vld [tilespmem:s23+$0x4070];
	v6 =	vxor.u32 v6, v12;
	v12 =	vsub.f32 $1.000000000e+00, v2;
	v2 =	vmax.f32 v4, $0.0e+00  }
0x158: {  	v18 =	vshra.s32 v4, $0x1F;
	v17 =	vsub.f32 $1.000000000e+00, v6;
	v6 =	vshra.s32 v11, $0x1F  }
0x159: {  	v57 =	vmax.f32 v9, $0.0e+00;
	v18 =	vor.u32 $0x80000000, v18;
	v6 =	vor.u32 $0x80000000, v6  }
0x15a: {  	v7 =	vshra.s32 v12, $0x1F;
	v4 =	vxor.u32 v4, v18;
	v6 =	vxor.u32 v11, v6  }
0x15b: {  	v37 =	vmax.f32 v12, $0.0e+00;
	v7 =	vor.u32 $0x80000000, v7;
	v20 =	vshrl.u32 v6, $0x1  }
0x15c: {  	v7 =	vxor.u32 v12, v7;
	v14 =	vxor.u32 v14, v19;
	v19 =	vshrl.u32 v4, $0x1  }
0x15d: {  	v4 =	vshrl.u32 v4, $0x12;
	v6 =	vshrl.u32 v6, $0x12;
	v20 =	vshrl.u32 v20, $0x18  }
0x15e: {  	v18 =	vshrl.u32 v7, $0x1;
	v19 =	vshrl.u32 v19, $0x18;
	v7 =	vshrl.u32 v7, $0x12  }
0x15f: {  	v4 =	vand.u32 $0x7F, v4;
	v6 =	vand.u32 $0x7F, v6;
	v18 =	vshrl.u32 v18, $0x18  }
0x160: {  	v5 =	vor.u32 v19, v5;
	v10 =	vor.u32 v18, v10;
	v18 =	vshra.s32 v17, $0x1F  }
0x161: {  	v19 =	vshll.u32 v5, $0x7;
	v5 =	vsub.f32 $1.000000000e+00, v14;
	v14 =	vor.u32 v20, v3  }
0x162: {  	v3 =	vand.u32 $0x7F, v7;
	v10 =	vshll.u32 v10, $0x7;
	v21 =	vor.u32 $0x80000000, v18  }
0x163: {  	v4 =	vor.u32 v4, v19;
	v19 =	vshra.s32 v9, $0x1F;
	v14 =	vshll.u32 v14, $0x7  }
0x164: {  	v20 =	vor.u32 v3, v10;
	v3 =	vor.u32 $0x8000, v4;
	v7 =	vshra.s32 v5, $0x1F;
	v10 =	vld [tilespmem:s23+$0x6000]  }
0x165: {  	v21 =	vxor.u32 v17, v21;
	v25 =	vor.u32 v6, v14;
	v14 =	vor.u32 $0x80000000, v19  }
0x166: {  	v23 =	vld [tilespmem:s23+$0x4000];
	v18 =	vor.u32 $0x8000, v20;
	v7 =	vor.u32 $0x80000000, v7;
	v22 =	vshrl.u32 v21, $0x1  }
0x167: {  	v24 =	vld [tilespmem:s23+$0x4010];
	v19 =	vshrl.u32 v21, $0x12;
	v14 =	vxor.u32 v9, v14;
	v56 =	vor.u32 $0x8000, v25  }
0x168: {  	v7 =	vxor.u32 v5, v7;
	v21 =	vshrl.u32 v22, $0x18;
	v19 =	vand.u32 $0x7F, v19  }
0x169: {  	v6 =	vshrl.u32 v7, $0x12;
	v7 =	vshrl.u32 v7, $0x1;
	v10 =	vxor.u32 $0x1, v10  }
0x16a: {  	v16 =	vor.u32 v21, v16;
	v21 =	vshrl.u32 v14, $0x1;
	v22 =	vshll.u32 v10, $0x1F  }
0x16b: {  	v14 =	vshrl.u32 v14, $0x12;
	v16 =	vshll.u32 v16, $0x7;
	v22 =	vxor.u32 v23, v22  }
0x16c: {  	s30 =	simm.s32 $0x80;
	s23 =	simm.s32 $0x400;
	v10 =	vshll.u32 v10, $0x7;
	v23 =	vxor.u32 v24, v26;
	v22 =	vsub.f32 $1.000000000e+00, v22  }
0x16d: {  	s31 =	simm.s32 $0x20;
	s24 =	sand.u32 $0x1000, s30;
	s26 =	sand.u32 $0xC00, s23;
	v24 =	vmax.f32 v17, $0.0e+00;
	v26 =	vor.u32 v19, v16;
	v16 =	vsub.f32 $1.000000000e+00, v23  }
0x16e: {  	s25 =	sand.u32 $0x380, s31;
	s24 =	sor.u32 s26, s24;
	v17 =	vshrl.u32 v21, $0x18;
	v21 =	vmax.f32 v11, $0.0e+00;
	v19 =	vshra.s32 v22, $0x1F  }
0x16f: {  	s24 =	sor.u32 s25, s24;
	v23 =	vor.u32 $0x8000, v26;
	v11 =	vshra.s32 v16, $0x1F;
	v19 =	vor.u32 $0x80000000, v19  }
0x170: {  	v30 =	vld [tilespmem:s24+$0x6030];
	v15 =	vor.u32 v17, v15;
	v11 =	vor.u32 $0x80000000, v11;
	v19 =	vxor.u32 v22, v19  }
0x171: {  	v53 =	vld [tilespmem:s24+$0x4060];
	v15 =	vshll.u32 v15, $0x7;
	v11 =	vxor.u32 v16, v11;
	v29 =	vshrl.u32 v19, $0x1  }
0x172: {  	v28 =	vmax.f32 v22, $0.0e+00;
	v22 =	vld [tilespmem:s24+$0x4030];
	v31 =	vshrl.u32 v11, $0x1;
	v29 =	vshrl.u32 v29, $0x18  }
0x173: {  	v19 =	vshrl.u32 v19, $0x12;
	v31 =	vshrl.u32 v31, $0x18;
	v10 =	vor.u32 v29, v10;
	v29 =	vld [tilespmem:s24+$0x6060]  }
0x174: {  	v19 =	vand.u32 $0x7F, v19;
	v8 =	vor.u32 v31, v8;
	v31 =	vld [tilespmem:s24+$0x6070];
	v10 =	vshll.u32 v10, $0x7  }
0x175: {  	v30 =	vxor.u32 $0x1, v30;
	v11 =	vshrl.u32 v11, $0x12;
	v54 =	vor.u32 v19, v10;
	v10 =	vld [tilespmem:s24+$0x6020]  }
0x176: {  	v55 =	vmax.f32 v16, $0.0e+00;
	v16 =	vld [tilespmem:s24+$0x6010];
	v11 =	vand.u32 $0x7F, v11;
	v8 =	vshll.u32 v8, $0x7  }
0x177: {  	v19 =	vld [tilespmem:s24+$0x6040];
	v38 =	vor.u32 v11, v8;
	v8 =	vand.u32 $0x7F, v14;
	v36 =	vor.u32 $0x8000, v54  }
0x178: {  	v11 =	vld [tilespmem:s24+$0x6050];
	v40 =	vor.u32 v8, v15;
	v14 =	vxor.u32 $0x1, v29;
	v29 =	vor.u32 $0x8000, v38  }
0x179: {  	v39 =	vld [tilespmem:s24+$0x4020];
	v8 =	vxor.u32 $0x1, v31;
	v31 =	vor.u32 $0x8000, v40;
	v12 =	vshll.u32 v14, $0x1F  }
0x17a: {  	v15 =	vld [tilespmem:s24+$0x4040];
	v41 =	vshll.u32 v14, $0x7;
	v60 =	vshll.u32 v8, $0x1F;
	v17 =	vxor.u32 $0x1, v10  }
0x17b: {  	v27 =	vld [tilespmem:s24+$0x4050];
	v10 =	vxor.u32 v53, v12;
	v12 =	vxor.u32 $0x1, v16;
	v16 =	vshll.u32 v30, $0x1F  }
0x17c: {  	v19 =	vxor.u32 $0x1, v19;
	v30 =	vshll.u32 v30, $0x7;
	v9 =	vshll.u32 v17, $0x1F  }
0x17d: {  	v14 =	vxor.u32 v22, v16;
	v22 =	vxor.u32 $0x1, v11;
	v42 =	vsub.f32 $1.000000000e+00, v10  }
0x17e: {  	v10 =	vshll.u32 v19, $0x1F;
	v16 =	vshll.u32 v19, $0x7;
	v19 =	vshll.u32 v13, $0x7  }
0x17f: {  	v11 =	vshll.u32 v22, $0x1F;
	v9 =	vxor.u32 v39, v9;
	v15 =	vxor.u32 v15, v10  }
0x180: {  	v14 =	vsub.f32 $1.000000000e+00, v14;
	v22 =	vshll.u32 v22, $0x7;
	v10 =	vxor.u32 v27, v11  }
0x181: {  	[tilespmem:v25+s16+$0x0] =	vst.idx.add.f32.msk $0xffff, v1;
	v9 =	vsub.f32 $1.000000000e+00, v9;
	v15 =	vsub.f32 $1.000000000e+00, v15;
	v44 =	vshra.s32 v42, $0x1F  }
0x182: {  	v27 =	vld [tilespmem:s24+$0x4070];
	v10 =	vsub.f32 $1.000000000e+00, v10;
	v58 =	vshra.s32 v14, $0x1F;
	v59 =	vor.u32 $0x80000000, v44  }
0x183: {  	[tilespmem:v54+s16+$0x0] =	vst.idx.add.f32.msk $0xffff, v1;
	v11 =	vmax.f32 v42, $0.0e+00;
	v13 =	vor.u32 $0x80000000, v58;
	v25 =	vxor.u32 v42, v59  }
0x184: {  	[tilespmem:v36+s16+$0x0] =	vst.idx.add.f32.msk $0xffff, v28;
	v28 =	vshra.s32 v15, $0x1F;
	v43 =	vshra.s32 v10, $0x1F;
	v13 =	vxor.u32 v14, v13  }
0x185: {  	v62 =	vshrl.u32 v25, $0x1;
	v25 =	vshrl.u32 v25, $0x12;
	v28 =	vor.u32 $0x80000000, v28  }
0x186: {  	[tilespmem:v56+s16+$0x0] =	vst.idx.add.f32.msk $0xffff, v21;
	v21 =	vor.u32 $0x80000000, v43;
	v61 =	vshrl.u32 v13, $0x1;
	v13 =	vshrl.u32 v13, $0x12  }
0x187: {  	[tilespmem:v40+s16+$0x0] =	vst.idx.add.f32.msk $0xffff, v1;
	v25 =	vand.u32 $0x7F, v25;
	v27 =	vxor.u32 v27, v60;
	v21 =	vxor.u32 v10, v21  }
0x188: {  	[tilespmem:v31+s16+$0x0] =	vst.idx.add.f32.msk $0xffff, v57;
	v35 =	vshrl.u32 v61, $0x18;
	v63 =	vand.u32 $0x7F, v13;
	v31 =	vshrl.u32 v21, $0x1  }
0x189: {  	[tilespmem:v20+s16+$0x0] =	vst.idx.add.f32.msk $0xffff, v1;
	v21 =	vshrl.u32 v21, $0x12;
	v20 =	vshrl.u32 v31, $0x18;
	v31 =	vshrl.u32 v62, $0x18  }
0x18a: {  	[tilespmem:v18+s16+$0x0] =	vst.idx.add.f32.msk $0xffff, v37;
	v18 =	vand.u32 $0x7F, v21;
	v20 =	vor.u32 v20, v22;
	v22 =	vor.u32 v31, v41  }
0x18b: {  	[tilespmem:v26+s16+$0x0] =	vst.idx.add.f32.msk $0xffff, v1;
	v31 =	vshll.u32 v20, $0x7;
	v22 =	vshll.u32 v22, $0x7;
	v20 =	vsub.f32 $1.000000000e+00, v27  }
0x18c: {  	[tilespmem:v23+s16+$0x0] =	vst.idx.add.f32.msk $0xffff, v24;
	v27 =	vor.u32 v35, v30;
	v30 =	vshra.s32 v9, $0x1F;
	v26 =	vor.u32 v18, v31  }
0x18d: {  	[tilespmem:v38+s16+$0x0] =	vst.idx.add.f32.msk $0xffff, v1;
	v21 =	vor.u32 v25, v22;
	v22 =	vxor.u32 v15, v28;
	v23 =	vshra.s32 v20, $0x1F  }
0x18e: {  	[tilespmem:v29+s16+$0x0] =	vst.idx.add.f32.msk $0xffff, v55;
	v24 =	vshll.u32 v27, $0x7;
	v13 =	vor.u32 $0x8000, v26;
	v23 =	vor.u32 $0x80000000, v23  }
0x18f: {  	v29 =	vld [tilespmem:s24+$0x4010];
	v18 =	vor.u32 $0x8000, v21;
	v25 =	vshrl.u32 v22, $0x1;
	v27 =	vxor.u32 v20, v23  }
0x190: {  	s25 =	simm.s32 $0x8;
	v28 =	vld [tilespmem:s24+$0x6000];
	v23 =	vor.u32 v63, v24;
	v24 =	vshrl.u32 v27, $0x12;
	v27 =	vshrl.u32 v27, $0x1  }
.LBB2_7:
0x191: {  	s25 =	sadd.s32 $0x8, s25;
	v30 =	vor.u32 $0x80000000, v30;
	v22 =	vshrl.u32 v22, $0x12;
	v25 =	vshrl.u32 v25, $0x18;
	s23 =	sadd.s32 $0x400, s23  }
0x192: {  	v17 =	vshll.u32 v17, $0x7;
	s26 =	sshll.u32 s25, $0x4;
	s28 =	sshll.u32 s25, $0x2;
	p0 =	slt.u32 s25, $0x1F8;
	v31 =	vld [tilespmem:s24+$0x4000];
	v30 =	vxor.u32 v9, v30;
	v16 =	vor.u32 v25, v16  }
0x193: {  	v25 =	vand.u32 $0x7F, v22;
	s24 =	sand.u32 $0x1000, s26;
	s26 =	sand.u32 $0xC00, s23;
	v32 =	vshrl.u32 v30, $0x1;
	v16 =	vshll.u32 v16, $0x7  }
0x194: {  	v33 =	vshll.u32 v12, $0x1F;
	v22 =	vmax.f32 v15, $0.0e+00;
	s24 =	sor.u32 s26, s24;
	s26 =	sand.u32 $0x380, s28;
	v25 =	vor.u32 v25, v16;
	[tilespmem:v4+s16+$0x0] =	vst.idx.add.f32.msk $0xffff, v1;
	v4 =	vmovc v21  }
0x195: {  	v15 =	vxor.u32 $0x1, v28;
	s24 =	sor.u32 s26, s24;
	v16 =	vxor.u32 v29, v33;
	[tilespmem:v23+s16+$0x0] =	vst.idx.add.f32.msk $0xffff, v1;
	v21 =	vor.u32 $0x8000, v25  }
0x196: {  	v32 =	vshrl.u32 v32, $0x18;
	v29 =	vshll.u32 v15, $0x1F;
	v28 =	vld [tilespmem:s24+$0x4050];
	v16 =	vsub.f32 $1.000000000e+00, v16  }
0x197: {  	v34 =	vshrl.u32 v7, $0x18;
	v7 =	vmovc v27;
	v33 =	vld [tilespmem:s24+$0x4030];
	v29 =	vxor.u32 v31, v29;
	v31 =	vmax.f32 v5, $0.0e+00;
	v5 =	vmovc v20  }
0x198: {  	v14 =	vmax.f32 v14, $0.0e+00;
	v19 =	vor.u32 v34, v19;
	v20 =	vsub.f32 $1.000000000e+00, v29;
	[tilespmem:v26+s16+$0x0] =	vst.idx.add.f32.msk $0xffff, v1  }
0x199: {  	v19 =	vshll.u32 v19, $0x7;
	v27 =	vshra.s32 v16, $0x1F;
	v29 =	vand.u32 $0x7F, v6;
	v6 =	vmovc v24;
	v26 =	vld [tilespmem:s24+$0x6030]  }
0x19a: {  	v19 =	vor.u32 v29, v19;
	v24 =	vld [tilespmem:s24+$0x4020];
	v34 =	vmax.f32 v20, $0.0e+00;
	v35 =	vshra.s32 v20, $0x1F  }
0x19b: {  	v27 =	vor.u32 $0x80000000, v27;
	v36 =	vor.u32 $0x8000, v19;
	v29 =	vld [tilespmem:s24+$0x4060];
	v35 =	vor.u32 $0x80000000, v35  }
0x19c: {  	v12 =	vshll.u32 v12, $0x7;
	v27 =	vxor.u32 v16, v27;
	v37 =	vld [tilespmem:s24+$0x6060];
	v20 =	vxor.u32 v20, v35  }
0x19d: {  	v38 =	vshrl.u32 v27, $0x1;
	v35 =	vshrl.u32 v20, $0x12;
	v20 =	vshrl.u32 v20, $0x1;
	[tilespmem:v3+s16+$0x0] =	vst.idx.add.f32.msk $0xffff, v2;
	v2 =	vmovc v11;
	v3 =	vmovc v18  }
0x19e: {  	v15 =	vshll.u32 v15, $0x7;
	v11 =	vld [tilespmem:s24+$0x6070];
	v18 =	vshrl.u32 v20, $0x18;
	v20 =	vshrl.u32 v38, $0x18  }
0x19f: {  	v15 =	vor.u32 v18, v15;
	v18 =	vshrl.u32 v27, $0x12;
	v12 =	vor.u32 v20, v12;
	[tilespmem:v19+s16+$0x0] =	vst.idx.add.f32.msk $0xffff, v1  }
0x1a0: {  	v19 =	vand.u32 $0x7F, v35;
	v20 =	vld [tilespmem:s24+$0x4070];
	v15 =	vshll.u32 v15, $0x7;
	v12 =	vshll.u32 v12, $0x7  }
0x1a1: {  	v27 =	vmax.f32 v16, $0.0e+00;
	v16 =	vor.u32 $0x8000, v23;
	v15 =	vor.u32 v19, v15;
	[tilespmem:v36+s16+$0x0] =	vst.idx.add.f32.msk $0xffff, v31  }
0x1a2: {  	v30 =	vshrl.u32 v30, $0x12;
	v17 =	vor.u32 v32, v17;
	v19 =	vld [tilespmem:s24+$0x6020];
	v23 =	vor.u32 $0x8000, v15  }
0x1a3: {  	v32 =	vmax.f32 v10, $0.0e+00;
	v17 =	vshll.u32 v17, $0x7;
	v18 =	vand.u32 $0x7F, v18;
	v31 =	vld [tilespmem:s24+$0x6010]  }
0x1a4: {  	v18 =	vor.u32 v18, v12;
	v12 =	vand.u32 $0x7F, v30;
	v10 =	vld [tilespmem:s24+$0x6040]  }
0x1a5: {  	v35 =	vxor.u32 $0x1, v37;
	v36 =	vor.u32 $0x8000, v18;
	v37 =	vor.u32 v12, v17;
	v30 =	vld [tilespmem:s24+$0x6050]  }
0x1a6: {  	v12 =	vshll.u32 v35, $0x1F;
	v39 =	vxor.u32 $0x1, v11;
	v11 =	vor.u32 $0x8000, v37;
	v38 =	vld [tilespmem:s24+$0x4040]  }
0x1a7: {  	v9 =	vmax.f32 v9, $0.0e+00;
	v17 =	vxor.u32 $0x1, v19;
	v19 =	vxor.u32 v29, v12;
	[tilespmem:v16+s16+$0x0] =	vst.idx.add.f32.msk $0xffff, v14  }
0x1a8: {  	v26 =	vxor.u32 $0x1, v26;
	v12 =	vxor.u32 $0x1, v31;
	v14 =	vshll.u32 v17, $0x1F  }
0x1a9: {  	v16 =	vshll.u32 v26, $0x1F;
	v29 =	vshll.u32 v35, $0x7;
	v10 =	vxor.u32 $0x1, v10;
	[tilespmem:v18+s16+$0x0] =	vst.idx.add.f32.msk $0xffff, v1  }
0x1aa: {  	v31 =	vsub.f32 $1.000000000e+00, v19;
	v18 =	vxor.u32 v33, v16;
	v30 =	vxor.u32 $0x1, v30;
	[tilespmem:v37+s16+$0x0] =	vst.idx.add.f32.msk $0xffff, v1  }
0x1ab: {  	v19 =	vxor.u32 v24, v14;
	v14 =	vshll.u32 v10, $0x1F;
	v24 =	vshll.u32 v30, $0x1F;
	[tilespmem:v11+s16+$0x0] =	vst.idx.add.f32.msk $0xffff, v9  }
0x1ac: {  	v16 =	vshll.u32 v10, $0x7;
	v11 =	vxor.u32 v38, v14;
	v9 =	vxor.u32 v28, v24;
	[tilespmem:v15+s16+$0x0] =	vst.idx.add.f32.msk $0xffff, v1  }
0x1ad: {  	v14 =	vsub.f32 $1.000000000e+00, v18;
	v10 =	vsub.f32 $1.000000000e+00, v9;
	[tilespmem:v23+s16+$0x0] =	vst.idx.add.f32.msk $0xffff, v34  }
0x1ae: {  	v15 =	vsub.f32 $1.000000000e+00, v11;
	v11 =	vmax.f32 v31, $0.0e+00;
	v9 =	vsub.f32 $1.000000000e+00, v19;
	[tilespmem:v13+s16+$0x0] =	vst.idx.add.f32.msk $0xffff, v32  }
0x1af: {  	v19 =	vshll.u32 v8, $0x7;
	v8 =	vmovc v39;
	v13 =	vshra.s32 v14, $0x1F;
	v18 =	vshra.s32 v10, $0x1F;
	[tilespmem:v25+s16+$0x0] =	vst.idx.add.f32.msk $0xffff, v1  }
0x1b0: {  	v23 =	vshll.u32 v30, $0x7;
	v13 =	vor.u32 $0x80000000, v13;
	v18 =	vor.u32 $0x80000000, v18;
	[tilespmem:v21+s16+$0x0] =	vst.idx.add.f32.msk $0xffff, v22  }
0x1b1: {  	v13 =	vxor.u32 v14, v13;
	v21 =	vshra.s32 v31, $0x1F;
	v22 =	vshll.u32 v8, $0x1F;
	[tilespmem:v36+s16+$0x0] =	vst.idx.add.f32.msk $0xffff, v27  }
0x1b2: {  	v24 =	vshrl.u32 v13, $0x1;
	v18 =	vxor.u32 v10, v18;
	v21 =	vor.u32 $0x80000000, v21  }
0x1b3: {  	v20 =	vxor.u32 v20, v22;
	v24 =	vshrl.u32 v24, $0x18;
	v21 =	vxor.u32 v31, v21  }
0x1b4: {  	v22 =	vshll.u32 v26, $0x7;
	v25 =	vshrl.u32 v18, $0x1;
	v26 =	vshrl.u32 v21, $0x1  }
0x1b5: {  	v25 =	vshrl.u32 v25, $0x18;
	v21 =	vshrl.u32 v21, $0x12;
	v26 =	vshrl.u32 v26, $0x18  }
0x1b6: {  	v18 =	vshrl.u32 v18, $0x12;
	v23 =	vor.u32 v25, v23;
	v25 =	vor.u32 v26, v29  }
0x1b7: {  	v13 =	vshrl.u32 v13, $0x12;
	v21 =	vand.u32 $0x7F, v21;
	v23 =	vshll.u32 v23, $0x7  }
0x1b8: {  	v20 =	vsub.f32 $1.000000000e+00, v20;
	v26 =	vshra.s32 v15, $0x1F;
	v25 =	vshll.u32 v25, $0x7  }
0x1b9: {  	v24 =	vor.u32 v24, v22;
	v18 =	vand.u32 $0x7F, v18;
	v22 =	vor.u32 $0x80000000, v26  }
.Ltmp2:
0x1ba: {  	v27 =	vand.u32 $0x7F, v13;
	v26 =	vor.u32 v18, v23;
	v21 =	vor.u32 v21, v25;
	(pc) =	sbr.rel @p0 .LBB2_7-.Ltmp2, $4  }
0x1bb: {  	v23 =	vshra.s32 v20, $0x1F;
	v13 =	vor.u32 $0x8000, v26;
	v18 =	vor.u32 $0x8000, v21  }
0x1bc: {  	v30 =	vshra.s32 v9, $0x1F;
	v22 =	vxor.u32 v15, v22;
	v23 =	vor.u32 $0x80000000, v23  }
0x1bd: {  	v24 =	vshll.u32 v24, $0x7;
	v25 =	vshrl.u32 v22, $0x1;
	v31 =	vxor.u32 v20, v23;
	v28 =	vld [tilespmem:s24+$0x6000]  }
0x1be: {  	v23 =	vor.u32 v27, v24;
	v24 =	vshrl.u32 v31, $0x12;
	v27 =	vshrl.u32 v31, $0x1;
	v29 =	vld [tilespmem:s24+$0x4010]  }
0x1bf: {  	v31 =	vld [tilespmem:s24+$0x4000]  }
0x1c0: {  	v30 =	vor.u32 $0x80000000, v30;
	v32 =	vshll.u32 v12, $0x1F;
	v17 =	vshll.u32 v17, $0x7  }
0x1c1: {  	v7 =	vshrl.u32 v7, $0x18;
	v6 =	vand.u32 $0x7F, v6;
	v42 =	vshll.u32 v12, $0x7  }
0x1c2: {  	v5 =	vmax.f32 v5, $0.0e+00;
	v59 =	vmax.f32 v10, $0.0e+00;
	v28 =	vxor.u32 $0x1, v28  }
0x1c3: {  	v30 =	vxor.u32 v9, v30;
	v29 =	vxor.u32 v29, v32;
	v33 =	vshll.u32 v28, $0x1F  }
0x1c4: {  	v7 =	vor.u32 v7, v19;
	v29 =	vsub.f32 $1.000000000e+00, v29;
	v31 =	vxor.u32 v31, v33  }
0x1c5: {  	v36 =	vshrl.u32 v30, $0x1;
	v7 =	vshll.u32 v7, $0x7;
	v31 =	vsub.f32 $1.000000000e+00, v31  }
0x1c6: {  	v47 =	vshrl.u32 v30, $0x12;
	v6 =	vor.u32 v6, v7;
	v37 =	vshra.s32 v29, $0x1F  }
0x1c7: {  	v48 =	vand.u32 $0x7F, v47;
	v38 =	vor.u32 $0x80000000, v37;
	v39 =	vshra.s32 v31, $0x1F  }
0x1c8: {  	v32 =	vshrl.u32 v36, $0x18;
	v19 =	vxor.u32 v29, v38;
	v40 =	vor.u32 $0x80000000, v39  }
0x1c9: {  	[tilespmem:v4+s16+$0x0] =	vst.idx.add.f32.msk $0xffff, v1;
	v44 =	vor.u32 $0x8000, v6;
	v41 =	vshrl.u32 v19, $0x1;
	v7 =	vxor.u32 v31, v40  }
0x1ca: {  	[tilespmem:v23+s16+$0x0] =	vst.idx.add.f32.msk $0xffff, v1;
	v45 =	vshll.u32 v28, $0x7;
	v33 =	vshrl.u32 v41, $0x18;
	v43 =	vshrl.u32 v7, $0x1  }
0x1cb: {  	[tilespmem:v26+s16+$0x0] =	vst.idx.add.f32.msk $0xffff, v1;
	v17 =	vor.u32 v32, v17;
	v12 =	vor.u32 v33, v42;
	v33 =	vshrl.u32 v43, $0x18  }
0x1cc: {  	[tilespmem:v3+s16+$0x0] =	vst.idx.add.f32.msk $0xffff, v2;
	v17 =	vshll.u32 v17, $0x7;
	v7 =	vshrl.u32 v7, $0x12;
	v2 =	vor.u32 v33, v45  }
0x1cd: {  	[tilespmem:v21+s16+$0x0] =	vst.idx.add.f32.msk $0xffff, v1;
	v3 =	vor.u32 v48, v17;
	v49 =	vand.u32 $0x7F, v7;
	v2 =	vshll.u32 v2, $0x7  }
0x1ce: {  	v46 =	vor.u32 $0x8000, v23;
	v51 =	vshrl.u32 v25, $0x18;
	[tilespmem:v13+s16+$0x0] =	vst.idx.add.f32.msk $0xffff, v59;
	v2 =	vor.u32 v49, v2  }
0x1cf: {  	v14 =	vmax.f32 v14, $0.0e+00;
	v52 =	vshrl.u32 v22, $0x12;
	v53 =	vor.u32 v51, v16;
	[tilespmem:v6+s16+$0x0] =	vst.idx.add.f32.msk $0xffff, v1  }
0x1d0: {  	v4 =	vand.u32 $0x7F, v52;
	v50 =	vor.u32 $0x8000, v3;
	[tilespmem:v44+s16+$0x0] =	vst.idx.add.f32.msk $0xffff, v5;
	v5 =	vshll.u32 v53, $0x7  }
0x1d1: {  	v58 =	vshrl.u32 v27, $0x18;
	[tilespmem:v18+s16+$0x0] =	vst.idx.add.f32.msk $0xffff, v11;
	v19 =	vshrl.u32 v19, $0x12;
	v4 =	vor.u32 v4, v5  }
0x1d2: {  	v19 =	vand.u32 $0x7F, v19;
	[tilespmem:v3+s16+$0x0] =	vst.idx.add.f32.msk $0xffff, v1;
	v3 =	vor.u32 $0x8000, v4;
	v12 =	vshll.u32 v12, $0x7  }
0x1d3: {  	v12 =	vor.u32 v19, v12;
	v54 =	vor.u32 $0x8000, v2;
	[tilespmem:v2+s16+$0x0] =	vst.idx.add.f32.msk $0xffff, v1;
	v2 =	vshll.u32 v8, $0x7  }
0x1d4: {  	v55 =	vmax.f32 v9, $0.0e+00;
	[tilespmem:v46+s16+$0x0] =	vst.idx.add.f32.msk $0xffff, v14;
	v57 =	vor.u32 $0x8000, v12;
	v2 =	vor.u32 v58, v2  }
0x1d5: {  	v60 =	vand.u32 $0x7F, v24;
	[tilespmem:v50+s16+$0x0] =	vst.idx.add.f32.msk $0xffff, v55;
	v2 =	vshll.u32 v2, $0x7  }
0x1d6: {  	v61 =	vmax.f32 v15, $0.0e+00;
	s22 =	sadd.s32 $0x1, s22;
	[tilespmem:v4+s16+$0x0] =	vst.idx.add.f32.msk $0xffff, v1;
	v2 =	vor.u32 v60, v2  }
0x1d7: {  	p0 =	sne.s32 s22, $0x8;
	[tilespmem:v3+s16+$0x0] =	vst.idx.add.f32.msk $0xffff, v61;
	v3 =	vor.u32 $0x8000, v2  }
.Ltmp3:
0x1d8: {  	v62 =	vmax.f32 v29, $0.0e+00;
	[tilespmem:v12+s16+$0x0] =	vst.idx.add.f32.msk $0xffff, v1;
	(pc) =	sbr.rel @p0 .LBB2_4-.Ltmp3, $4  }
0x1d9: {  	v56 =	vmax.f32 v31, $0.0e+00;
	[tilespmem:v57+s16+$0x0] =	vst.idx.add.f32.msk $0xffff, v62  }
0x1da: {  	[tilespmem:v54+s16+$0x0] =	vst.idx.add.f32.msk $0xffff, v56  }
0x1db: {  	v63 =	vmax.f32 v20, $0.0e+00;
	[tilespmem:v2+s16+$0x0] =	vst.idx.add.f32.msk $0xffff, v1  }
0x1dc: {  	[tilespmem:v3+s16+$0x0] =	vst.idx.add.f32.msk $0xffff, v63  }
0x1dd: {  	_ =	swait.ge [sflag:s5], $0x2000  }
0x1de: {  	[sflag:s5] =	ssyncset.done $0x0  }
0x1df: {  	[sflag:s5] =	ssyncadd.s32 $0xFFFFE000  }
0x1e0: {  	s20 =	sadd.s32 $0x1, s20;
	_ =	swait.ge [sflag:s13], $0x2000  }
0x1e1: {  	p0 =	sne.s32 s20, s11;
	[sflag:s13] =	ssyncset.done $0x0  }
.Ltmp4:
0x1e2: {  	[sflag:s13] =	ssyncadd.s32 $0xFFFFE000;
	(pc) =	sbr.rel @p0 .LBB2_1-.Ltmp4, $4  }
0x1e3: {  	[hbm4b:s10+s4] =	stream.linear.scatter [tilespmem:s16], [sflag:$0x5], $0x10000, $0x38;
	[tilespmem:$0x18000] =	vst v63  }
0x1e4: {  	_ =	swait.ge [sflag:s19], $0x10000  }
0x1e5: {  	[sflag:s19] =	ssyncset.done $0x0  }
0x1e6: {  	[sflag:s19] =	ssyncadd.s32 $0xFFFF0000  }
0x1e7: {  	_ =	sfence.sel $0x180000  }
0x1e8: {  	[bflag:$0x0] =	sbarrier.arrive $0xFFFF  }
0x1e9: {  	p0 =	sne.s32 s0, $0x0;
	_ =	strace $0x90000047  }
0x1ea: {  	s0 =	sadd.s32 @!p0 $0x100000, s2;
	[bflag:$0x2] =	sbarrier.arrive $0xFFFF  }
0x1eb: {  	[sflag:s0] =	ssyncadd.tile.s32 @!p0 $0x1;
	_ =	shalt  }
.Lfunc_end2:
_tile_overlayer_lowered:
.L_overlay_start_2:
0x1ec: {  	(tag) =	ssettag $0x2  }
0x1ed: {  	s0 =	rddreg [dreg:$0x0];
	s2 =	stileid.u32  }
0x1ee: {  	s1 =	rddreg [dreg:$0x1];
	p0 =	sne.s32 s2, $0x0  }
0x1ef: {  	s3 =	rddreg [dreg:$0x2];
	[bflag:$0x3] =	sbarrier.arrive $0xFFFF;
	s2 =	simm.s32 @!p0 $0x1C05  }
0x1f0: {  	[timem:s3], [sflag:s2] =	dma.local @!p0 [hbm:s0], s1  }
0x1f1: {  	s0 =	simm.s32 @!p0 $0x5  }
0x1f2: {  	_ =	swait.ge @!p0 [sflag:s0], s1  }
0x1f3: {  	s1 =	ssub.s32 @!p0 $0x0, s1;
	[sflag:s0] =	ssyncset.done @!p0 $0x0  }
0x1f4: {  	[sflag:s0] =	ssyncadd.s32 @!p0 s1  }
0x1f5: {  	[bflag:$0x3] =	sbarrier.arrive $0xFFFF  }
0x1f6: {  	_ =	shalt  }

</sc_bundles>
